<compile_context>
chip_gen: v7x
topology: tpu7x:2x2x1
jax: 0.10.2.dev20260603
libtpu: 0.0.44.dev20260713+nightly
codegen_flags: <defaults>
</compile_context>

<pallas_src>
import jax
import jax.numpy as jnp
from jax import lax
from jax.experimental import pallas as pl
from jax.experimental.pallas import tpu as pltpu
from jax.experimental.pallas import tpu_sc as plsc

N = 10000
D = 256
E = 160000

NC = 2
NS = 16
ACC_ROWS = 10240
STRIPE = ACC_ROWS // NS
CHUNK = 40
EPW = E // NS
NCHUNK = EPW // CHUNK
NBUF = 4
NMAIN = NCHUNK // NBUF
NTAIL = NCHUNK % NBUF
DEG_ROWS = 80

ROWBLK = 2000

import dataclasses as _dataclasses
import functools as _functools


@_functools.cache
def _sc_compiler_params():
    cp = pltpu.CompilerParams()
    if "needs_layout_passes" in pltpu.CompilerParams.__dataclass_fields__:
        cp = _dataclasses.replace(cp, needs_layout_passes=False)
    return cp


@_functools.cache
def _vector_mesh():
    return plsc.VectorSubcoreMesh(core_axis_name="core",
                                  subcore_axis_name="subcore",
                                  num_cores=NC, num_subcores=NS)



def _deg_body(edge_hbm, iota_hbm, deg_hbm, dstv, part, iotav, spdeg):
    c = lax.axis_index("core")
    s = lax.axis_index("subcore")
    stripe = 8

    @pl.loop(0, DEG_ROWS)
    def _(i):
        for j in range(8):
            part[i, pl.ds(j * 16, 16)] = jnp.zeros((16,), jnp.float32)

    @pl.when(s < DEG_ROWS // stripe)
    def _():
        pltpu.sync_copy(part.at[pl.ds(0, stripe)],
                        spdeg.at[pl.ds(s * stripe, stripe)])

    pltpu.sync_copy(iota_hbm, iotav)
    pltpu.sync_copy(edge_hbm.at[pl.ds(E + s * EPW, EPW)], dstv)

    @pl.loop(0, EPW // 16)
    def _(i):
        idx = dstv[pl.ds(i * 16, 16)]
        row = lax.shift_right_logical(idx, 7)
        col = jnp.bitwise_and(idx, 127)
        plsc.addupdate_scatter(part, [row, col], jnp.ones((16,), jnp.float32))

    plsc.subcore_barrier()
    pltpu.sync_copy(part, spdeg.at[iotav], add=True)
    plsc.subcore_barrier()

    @pl.when((c == 0) & (s < DEG_ROWS // stripe))
    def _():
        pltpu.sync_copy(spdeg.at[pl.ds(s * stripe, stripe)],
                        deg_hbm.at[pl.ds(s * stripe, stripe)])


def _compute_deg(edges, iota80):
    kfn = pl.kernel(
        _deg_body,
        out_type=jax.ShapeDtypeStruct((DEG_ROWS, 128), jnp.float32),
        mesh=_vector_mesh(),
        compiler_params=_sc_compiler_params(),
        scratch_types=[
            pltpu.VMEM((EPW,), jnp.int32),
            pltpu.VMEM((DEG_ROWS, 128), jnp.float32),
            pltpu.VMEM((DEG_ROWS,), jnp.int32),
            pltpu.VMEM_SHARED((DEG_ROWS, 128), jnp.float32),
        ],
    )
    return kfn(edges, iota80)



def _agg_body(edge_hbm, hs2_hbm, out_hbm,
              srcv, dstloc, rows0, rows1, rows2, rows3, zblk, acc,
              sem0, sem1, sem2, sem3):
    c = lax.axis_index("core")
    s = lax.axis_index("subcore")
    bufs = (rows0, rows1, rows2, rows3)
    sems = (sem0, sem1, sem2, sem3)

    pltpu.sync_copy(edge_hbm.at[pl.ds(s * EPW, EPW)], srcv)

    @pl.loop(0, EPW // 16)
    def _(i):
        v = srcv[pl.ds(i * 16, 16)]
        srcv[pl.ds(i * 16, 16)] = v + v + c

    @pl.loop(0, 8)
    def _(i):
        for j in range(128 // 16):
            zblk[i, pl.ds(j * 16, 16)] = jnp.zeros((16,), jnp.float32)

    def start_gather(i, b):
        pltpu.async_copy(hs2_hbm.at[srcv.at[pl.ds(i * CHUNK, CHUNK)]],
                         bufs[b], sems[b])

    def wait_gather(i, b):
        pltpu.make_async_copy(hs2_hbm.at[srcv.at[pl.ds(i * CHUNK, CHUNK)]],
                              bufs[b], sems[b]).wait()

    def start_scatter(i, b):
        pltpu.async_copy(bufs[b], acc.at[dstloc.at[pl.ds(i * CHUNK, CHUNK)]],
                         sems[b], add=True)

    def wait_scatter(i, b):
        pltpu.make_async_copy(bufs[b],
                              acc.at[dstloc.at[pl.ds(i * CHUNK, CHUNK)]],
                              sems[b]).wait()

    @pl.loop(0, STRIPE // 8)
    def _(k):
        pltpu.sync_copy(zblk, acc.at[pl.ds(s * STRIPE + k * 8, 8)])

    pltpu.sync_copy(edge_hbm.at[pl.ds(E + s * EPW, EPW)], dstloc)
    plsc.subcore_barrier()

    for b in range(NBUF):
        start_gather(b, b)

    @pl.loop(0, NMAIN)
    def _(k):
        i = k * NBUF
        for b in range(NBUF):
            wait_gather(i + b, b)
            start_scatter(i + b, b)
        for b in range(NBUF):
            wait_scatter(i + b, b)

            @pl.when(i + NBUF + b < NCHUNK)
            def _(b=b, i=i):
                start_gather(i + NBUF + b, b)

    for b in range(NTAIL):
        wait_gather(NMAIN * NBUF + b, b)
        start_scatter(NMAIN * NBUF + b, b)
    for b in range(NTAIL):
        wait_scatter(NMAIN * NBUF + b, b)

    plsc.subcore_barrier()

    pltpu.sync_copy(acc.at[pl.ds(s * STRIPE, STRIPE)],
                    out_hbm.at[c, pl.ds(s * STRIPE, STRIPE)])


def _aggregate(edges, hs2):
    kfn = pl.kernel(
        _agg_body,
        out_type=jax.ShapeDtypeStruct((NC, ACC_ROWS, 128), jnp.float32),
        mesh=_vector_mesh(),
        compiler_params=_sc_compiler_params(),
        scratch_types=[
            pltpu.VMEM((EPW,), jnp.int32),
            pltpu.VMEM((EPW,), jnp.int32),
            pltpu.VMEM((CHUNK, 128), jnp.float32),
            pltpu.VMEM((CHUNK, 128), jnp.float32),
            pltpu.VMEM((CHUNK, 128), jnp.float32),
            pltpu.VMEM((CHUNK, 128), jnp.float32),
            pltpu.VMEM((8, 128), jnp.float32),
            pltpu.VMEM_SHARED((ACC_ROWS, 128), jnp.float32),
            pltpu.SemaphoreType.DMA,
            pltpu.SemaphoreType.DMA,
            pltpu.SemaphoreType.DMA,
            pltpu.SemaphoreType.DMA,
        ],
    )
    return kfn(edges, hs2)



def _k1a_body(x_ref, w_ref, h_ref):
    h = jnp.dot(x_ref[...], w_ref[...], preferred_element_type=jnp.float32)
    h_ref[...] = h.reshape(2 * ROWBLK, 128)


def _k1b_body(deg_ref, h_ref, hs_ref, dis_ref):
    dis = lax.rsqrt(deg_ref[...] + 1.0)
    h = h_ref[...].reshape(ROWBLK, D)
    hs_ref[...] = (h * dis).reshape(2 * ROWBLK, 128)
    dis_ref[...] = dis


def _k2_body(a0_ref, a1_ref, hs_ref, dis_ref, b_ref, w_ref, hs2_ref):
    dis = dis_ref[...]
    agg = jnp.concatenate([a0_ref[0], a1_ref[0]], axis=1)
    hs = hs_ref[...].reshape(ROWBLK, D)
    t = jnp.maximum(dis * (agg + hs) + b_ref[...], 0.0)
    h2 = jnp.dot(t, w_ref[...], preferred_element_type=jnp.float32)
    hs2_ref[...] = (dis * h2).reshape(2 * ROWBLK, 128)


def _k3_body(a0_ref, a1_ref, hs_ref, dis_ref, b_ref, o_ref):
    agg = jnp.concatenate([a0_ref[0], a1_ref[0]], axis=1)
    hs = hs_ref[...].reshape(ROWBLK, D)
    o_ref[...] = dis_ref[...] * (agg + hs) + b_ref[...]


_NBLK = N // ROWBLK

def _row_spec(width):
    return pl.BlockSpec((ROWBLK, width), lambda i: (i, 0))

def _hs_spec():
    return pl.BlockSpec((2 * ROWBLK, 128), lambda i: (i, 0))

def _agg_spec(core):
    return pl.BlockSpec((1, ROWBLK, 128), lambda i: (core, i, 0))

def _full_spec(r, cols):
    return pl.BlockSpec((r, cols), lambda i: (0, 0))


def _tc_k1a(x, W1):
    return pl.pallas_call(
        _k1a_body,
        grid=(_NBLK,),
        in_specs=[_row_spec(D), _full_spec(D, D)],
        out_specs=_hs_spec(),
        out_shape=jax.ShapeDtypeStruct((2 * N, 128), jnp.float32),
    )(x, W1)


def _tc_k1b(deg, h1):
    return pl.pallas_call(
        _k1b_body,
        grid=(_NBLK,),
        in_specs=[_row_spec(1), _hs_spec()],
        out_specs=[_hs_spec(), _row_spec(1)],
        out_shape=[jax.ShapeDtypeStruct((2 * N, 128), jnp.float32),
                   jax.ShapeDtypeStruct((N, 1), jnp.float32)],
    )(deg, h1)


def _tc_k2(agg, hs2, dis, b1, W2):
    return pl.pallas_call(
        _k2_body,
        grid=(_NBLK,),
        in_specs=[_agg_spec(0), _agg_spec(1), _hs_spec(), _row_spec(1),
                  _full_spec(1, D), _full_spec(D, D)],
        out_specs=_hs_spec(),
        out_shape=jax.ShapeDtypeStruct((2 * N, 128), jnp.float32),
    )(agg, agg, hs2, dis, b1, W2)


def _tc_k3(agg, hs2, dis, b2):
    return pl.pallas_call(
        _k3_body,
        grid=(_NBLK,),
        in_specs=[_agg_spec(0), _agg_spec(1), _hs_spec(), _row_spec(1),
                  _full_spec(1, D)],
        out_specs=_row_spec(D),
        out_shape=jax.ShapeDtypeStruct((N, D), jnp.float32),
    )(agg, agg, hs2, dis, b2)



def kernel(x, edge_index, W1, b1, W2, b2):
    edges = edge_index.astype(jnp.int32).reshape(2 * E)
    iota80 = jnp.arange(DEG_ROWS, dtype=jnp.int32)
    b1r = b1.reshape(1, D)
    b2r = b2.reshape(1, D)

    deg = _compute_deg(edges, iota80).reshape(-1)[:N].reshape(N, 1)
    h1 = _tc_k1a(x, W1)
    hs1, dis = _tc_k1b(deg, h1)
    agg1 = _aggregate(edges, hs1)
    hs2 = _tc_k2(agg1, hs1, dis, b1r, W2)
    agg2 = _aggregate(edges, hs2)
    return _tc_k3(agg2, hs2, dis, b2r)

# --- scband reference (transcript-rebuilt; emitter-appended) ---
"""Pipeline reference for scband-gcn-4879082848617 (READ-ONLY COPY).

The authoritative reference and input builder live on the scoring server;
editing this copy changes nothing except your own understanding.
"""

import jax, jax.numpy as jnp
import numpy as np

N = 10000
E = 160000
D_IN = 256
D_HID = 256
D_OUT = 256


def setup_inputs(seed: int = 0) -> dict:
    key = jax.random.key(seed)
    k1, k2, k3, k4 = jax.random.split(key, 4)
    x = jax.random.normal(k1, (N, D_IN), dtype=jnp.float32)
    edge_index = jax.random.randint(k2, (2, E), 0, N)
    s1 = (2.0 / (D_IN + D_HID)) ** 0.5
    s2 = (2.0 / (D_HID + D_OUT)) ** 0.5
    W1 = jax.random.normal(k3, (D_IN, D_HID), dtype=jnp.float32) * s1
    b1 = jnp.zeros((D_HID,), dtype=jnp.float32)
    W2 = jax.random.normal(k4, (D_HID, D_OUT), dtype=jnp.float32) * s2
    b2 = jnp.zeros((D_OUT,), dtype=jnp.float32)
    return {"x": x, "edge_index": edge_index, "W1": W1, "b1": b1, "W2": W2, "b2": b2}


def _gcn_conv(x, src, dst, norm, W, b):
    # GCNConv: x' = D^{-1/2} (A + I) D^{-1/2} X W + b
    h = x @ W
    msgs = h[src] * norm[:, None]
    out = jnp.zeros((N, h.shape[1]), dtype=h.dtype).at[dst].add(msgs)
    return out + b


def reference(x, edge_index, W1, b1, W2, b2):
    src = edge_index[0]
    dst = edge_index[1]
    # add self loops (PyG GCNConv default add_self_loops=True)
    loop = jnp.arange(N, dtype=src.dtype)
    src = jnp.concatenate([src, loop])
    dst = jnp.concatenate([dst, loop])
    deg = jnp.zeros((N,), dtype=jnp.float32).at[dst].add(1.0)
    deg_inv_sqrt = jnp.where(deg > 0, deg ** -0.5, 0.0)
    norm = deg_inv_sqrt[src] * deg_inv_sqrt[dst]
    # layer 1 + relu (dropout is identity in eval mode)
    h = _gcn_conv(x, src, dst, norm, W1, b1)
    h = jax.nn.relu(h)
    # final layer (no activation)
    out = _gcn_conv(h, src, dst, norm, W2, b2)
    return out

if __name__ == "__main__":
    import jax
    _d = setup_inputs()
    print(jax.jit(kernel)(*tuple(_d.values())))

</pallas_src>

<mosaic_0001>
#map = affine_map<(d0, d1) -> (0)>
#map1 = affine_map<(d0, d1) -> (0, 0)>
module attributes {stable_mosaic.version = 14 : i64} {
  func.func @_deg_body(%arg0: i32, %arg1: i32, %arg2: memref<320000xi32, #tpu.memory_space<hbm>>, %arg3: memref<80xi32, #tpu.memory_space<hbm>>, %arg4: memref<80x128xf32, #tpu.memory_space<hbm>>, %arg5: memref<10000xi32, #tpu.memory_space<vmem>>, %arg6: memref<80x128xf32, #tpu.memory_space<vmem>>, %arg7: memref<80xi32, #tpu.memory_space<vmem>>, %arg8: memref<80x128xf32, #tpu.memory_space<vmem_shared>>) attributes {dimension_semantics = [#tpu.dimension_semantics<core_parallel>, #tpu.dimension_semantics<subcore_parallel>], iteration_bounds = array<i64: 2, 16>, scalar_prefetch = 0 : i64, scratch_operands = 4 : i64, tpu.core_type = #tpu.core_type<sc_vector_subcore>, window_params = [{transform_indices = #map}, {transform_indices = #map}, {transform_indices = #map1}]} {
    %scan3A = arith.constant 0 : i32
    %scan3A_0 = arith.constant 80 : i32
    %scan3A_1 = arith.addi %scan3A, %scan3A_0 : i32
    %scan3A_2 = arith.constant 1 : i32
    scf.for %scan3A_20 = %scan3A to %scan3A_1 step %scan3A_2  : i32 {
      %mul3A_21 = arith.constant 1 : i32
      %mul3A_22 = arith.muli %scan3A_20, %mul3A_21 : i32
      %add3A_23 = arith.constant 0 : i32
      %add3A_24 = arith.addi %add3A_23, %mul3A_22 : i32
      %broadcast_in_dim3A = arith.constant 0.000000e+00 : f32
      %broadcast_in_dim3A_25 = vector.broadcast %broadcast_in_dim3A : f32 to vector<16xf32>
      %swap3A = arith.index_cast %add3A_24 : i32 to index
      %swap3A_26 = arith.constant 0 : index
      %swap3A_27 = tpu.vector_load %arg6[%swap3A, %swap3A_26] {strides = array<i32>} : memref<80x128xf32, #tpu.memory_space<vmem>>, vector<16xf32>,
      tpu.vector_store %arg6[%swap3A, %swap3A_26], %broadcast_in_dim3A_25 {strides = array<i32>} : memref<80x128xf32, #tpu.memory_space<vmem>>, vector<16xf32>,
      %broadcast_in_dim3A_28 = arith.constant 0.000000e+00 : f32
      %broadcast_in_dim3A_29 = vector.broadcast %broadcast_in_dim3A_28 : f32 to vector<16xf32>
      %swap3A_30 = arith.index_cast %add3A_24 : i32 to index
      %swap3A_31 = arith.constant 16 : index
      %swap3A_32 = tpu.vector_load %arg6[%swap3A_30, %swap3A_31] {strides = array<i32>} : memref<80x128xf32, #tpu.memory_space<vmem>>, vector<16xf32>,
      tpu.vector_store %arg6[%swap3A_30, %swap3A_31], %broadcast_in_dim3A_29 {strides = array<i32>} : memref<80x128xf32, #tpu.memory_space<vmem>>, vector<16xf32>,
      %broadcast_in_dim3A_33 = arith.constant 0.000000e+00 : f32
      %broadcast_in_dim3A_34 = vector.broadcast %broadcast_in_dim3A_33 : f32 to vector<16xf32>
      %swap3A_35 = arith.index_cast %add3A_24 : i32 to index
      %swap3A_36 = arith.constant 32 : index
      %swap3A_37 = tpu.vector_load %arg6[%swap3A_35, %swap3A_36] {strides = array<i32>} : memref<80x128xf32, #tpu.memory_space<vmem>>, vector<16xf32>,
      tpu.vector_store %arg6[%swap3A_35, %swap3A_36], %broadcast_in_dim3A_34 {strides = array<i32>} : memref<80x128xf32, #tpu.memory_space<vmem>>, vector<16xf32>,
      %broadcast_in_dim3A_38 = arith.constant 0.000000e+00 : f32
      %broadcast_in_dim3A_39 = vector.broadcast %broadcast_in_dim3A_38 : f32 to vector<16xf32>
      %swap3A_40 = arith.index_cast %add3A_24 : i32 to index
      %swap3A_41 = arith.constant 48 : index
      %swap3A_42 = tpu.vector_load %arg6[%swap3A_40, %swap3A_41] {strides = array<i32>} : memref<80x128xf32, #tpu.memory_space<vmem>>, vector<16xf32>,
      tpu.vector_store %arg6[%swap3A_40, %swap3A_41], %broadcast_in_dim3A_39 {strides = array<i32>} : memref<80x128xf32, #tpu.memory_space<vmem>>, vector<16xf32>,
      %broadcast_in_dim3A_43 = arith.constant 0.000000e+00 : f32
      %broadcast_in_dim3A_44 = vector.broadcast %broadcast_in_dim3A_43 : f32 to vector<16xf32>
      %swap3A_45 = arith.index_cast %add3A_24 : i32 to index
      %swap3A_46 = arith.constant 64 : index
      %swap3A_47 = tpu.vector_load %arg6[%swap3A_45, %swap3A_46] {strides = array<i32>} : memref<80x128xf32, #tpu.memory_space<vmem>>, vector<16xf32>,
      tpu.vector_store %arg6[%swap3A_45, %swap3A_46], %broadcast_in_dim3A_44 {strides = array<i32>} : memref<80x128xf32, #tpu.memory_space<vmem>>, vector<16xf32>,
      %broadcast_in_dim3A_48 = arith.constant 0.000000e+00 : f32
      %broadcast_in_dim3A_49 = vector.broadcast %broadcast_in_dim3A_48 : f32 to vector<16xf32>
      %swap3A_50 = arith.index_cast %add3A_24 : i32 to index
      %swap3A_51 = arith.constant 80 : index
      %swap3A_52 = tpu.vector_load %arg6[%swap3A_50, %swap3A_51] {strides = array<i32>} : memref<80x128xf32, #tpu.memory_space<vmem>>, vector<16xf32>,
      tpu.vector_store %arg6[%swap3A_50, %swap3A_51], %broadcast_in_dim3A_49 {strides = array<i32>} : memref<80x128xf32, #tpu.memory_space<vmem>>, vector<16xf32>,
      %broadcast_in_dim3A_53 = arith.constant 0.000000e+00 : f32
      %broadcast_in_dim3A_54 = vector.broadcast %broadcast_in_dim3A_53 : f32 to vector<16xf32>
      %swap3A_55 = arith.index_cast %add3A_24 : i32 to index
      %swap3A_56 = arith.constant 96 : index
      %swap3A_57 = tpu.vector_load %arg6[%swap3A_55, %swap3A_56] {strides = array<i32>} : memref<80x128xf32, #tpu.memory_space<vmem>>, vector<16xf32>,
      tpu.vector_store %arg6[%swap3A_55, %swap3A_56], %broadcast_in_dim3A_54 {strides = array<i32>} : memref<80x128xf32, #tpu.memory_space<vmem>>, vector<16xf32>,
      %broadcast_in_dim3A_58 = arith.constant 0.000000e+00 : f32
      %broadcast_in_dim3A_59 = vector.broadcast %broadcast_in_dim3A_58 : f32 to vector<16xf32>
      %swap3A_60 = arith.index_cast %add3A_24 : i32 to index
      %swap3A_61 = arith.constant 112 : index
      %swap3A_62 = tpu.vector_load %arg6[%swap3A_60, %swap3A_61] {strides = array<i32>} : memref<80x128xf32, #tpu.memory_space<vmem>>, vector<16xf32>,
      tpu.vector_store %arg6[%swap3A_60, %swap3A_61], %broadcast_in_dim3A_59 {strides = array<i32>} : memref<80x128xf32, #tpu.memory_space<vmem>>, vector<16xf32>,
    }
    %scan3A_3 = arith.constant 80 : i32
    %lt3A = arith.constant 10 : i32
    %lt3A_4 = arith.cmpi slt, %arg1, %lt3A : i32
    %convert_element_type3A = arith.extui %lt3A_4 : i1 to i32
    %cond3A = arith.constant 0 : i32
    %cond3A_5 = arith.cmpi ne, %convert_element_type3A, %cond3A : i32
    scf.if %cond3A_5 {
      %mul3A_20 = arith.constant 8 : i32
      %mul3A_21 = arith.muli %arg1, %mul3A_20 : i32
      "tpu.region"() ({
        %run_scoped3A = tpu.sem_alloc : memref<!tpu.dma_semaphore, #tpu.memory_space<semaphore_mem>>
        %dma_start3A = arith.constant 0 : i32
        %dma_start3A_22 = arith.constant 0 : i32
        %dma_start3A_23 = tpu.memref_slice %arg6[%dma_start3A, %dma_start3A_22] : memref<80x128xf32, #tpu.memory_space<vmem>> -> memref<8x128xf32, #tpu.memory_space<vmem>>
        %dma_start3A_24 = arith.constant 0 : i32
        %dma_start3A_25 = tpu.memref_slice %arg8[%mul3A_21, %dma_start3A_24] : memref<80x128xf32, #tpu.memory_space<vmem_shared>> -> memref<8x128xf32, #tpu.memory_space<vmem_shared>>
        %dma_start3A_26 = arith.constant 0 : i32
        %dma_start3A_27 = tpu.memref_slice %arg8[%mul3A_21, %dma_start3A_26] : memref<80x128xf32, #tpu.memory_space<vmem_shared>> -> memref<8x128xf32, #tpu.memory_space<vmem_shared>>
        %dma_start3A_28 = arith.constant 0 : i32
        %dma_start3A_29 = arith.constant 0 : i32
        %dma_start3A_30 = tpu.memref_slice %arg6[%dma_start3A_28, %dma_start3A_29] : memref<80x128xf32, #tpu.memory_space<vmem>> -> memref<8x128xf32, #tpu.memory_space<vmem>>
        tpu.enqueue_dma source(%dma_start3A_30 : memref<8x128xf32, #tpu.memory_space<vmem>>) target(%dma_start3A_27 : memref<8x128xf32, #tpu.memory_space<vmem_shared>>) target_semaphore(%run_scoped3A : memref<!tpu.dma_semaphore, #tpu.memory_space<semaphore_mem>>)
        %dma_wait3A = arith.constant 0 : i32
        %dma_wait3A_31 = arith.constant 0 : i32
        %dma_wait3A_32 = tpu.memref_slice %arg6[%dma_wait3A, %dma_wait3A_31] : memref<80x128xf32, #tpu.memory_space<vmem>> -> memref<8x128xf32, #tpu.memory_space<vmem>>
        %dma_wait3A_33 = arith.constant 0 : i32
        %dma_wait3A_34 = tpu.memref_slice %arg8[%mul3A_21, %dma_wait3A_33] : memref<80x128xf32, #tpu.memory_space<vmem_shared>> -> memref<8x128xf32, #tpu.memory_space<vmem_shared>>
        %dma_wait3A_35 = arith.constant 0 : i32
        %dma_wait3A_36 = tpu.memref_slice %arg8[%mul3A_21, %dma_wait3A_35] : memref<80x128xf32, #tpu.memory_space<vmem_shared>> -> memref<8x128xf32, #tpu.memory_space<vmem_shared>>
        %dma_wait3A_37 = arith.constant 0 : i32
        %dma_wait3A_38 = arith.constant 0 : i32
        %dma_wait3A_39 = tpu.memref_slice %arg6[%dma_wait3A_37, %dma_wait3A_38] : memref<80x128xf32, #tpu.memory_space<vmem>> -> memref<8x128xf32, #tpu.memory_space<vmem>>
        tpu.wait_dma2 semaphore(%run_scoped3A : memref<!tpu.dma_semaphore, #tpu.memory_space<semaphore_mem>>) src(%dma_wait3A_39 : memref<8x128xf32, #tpu.memory_space<vmem>>) dst(%dma_wait3A_36 : memref<8x128xf32, #tpu.memory_space<vmem_shared>>)
        tpu.yield
      }) : () -> ()
    } else {
    }
    "tpu.region"() ({
      %run_scoped3A = tpu.sem_alloc : memref<!tpu.dma_semaphore, #tpu.memory_space<semaphore_mem>>
      tpu.enqueue_dma source(%arg3 : memref<80xi32, #tpu.memory_space<hbm>>) target(%arg7 : memref<80xi32, #tpu.memory_space<vmem>>) target_semaphore(%run_scoped3A : memref<!tpu.dma_semaphore, #tpu.memory_space<semaphore_mem>>)
      tpu.wait_dma2 semaphore(%run_scoped3A : memref<!tpu.dma_semaphore, #tpu.memory_space<semaphore_mem>>) src(%arg3 : memref<80xi32, #tpu.memory_space<hbm>>) dst(%arg7 : memref<80xi32, #tpu.memory_space<vmem>>)
      tpu.yield
    }) : () -> ()
    %mul3A = arith.constant 10000 : i32
    %mul3A_6 = arith.muli %arg1, %mul3A : i32
    %add3A = arith.constant 160000 : i32
    %add3A_7 = arith.addi %add3A, %mul3A_6 : i32
    "tpu.region"() ({
      %run_scoped3A = tpu.sem_alloc : memref<!tpu.dma_semaphore, #tpu.memory_space<semaphore_mem>>
      %dma_start3A = tpu.memref_slice %arg2[%add3A_7] : memref<320000xi32, #tpu.memory_space<hbm>> -> memref<10000xi32, #tpu.memory_space<hbm>>
      %dma_start3A_20 = tpu.memref_slice %arg2[%add3A_7] : memref<320000xi32, #tpu.memory_space<hbm>> -> memref<10000xi32, #tpu.memory_space<hbm>>
      tpu.enqueue_dma source(%dma_start3A_20 : memref<10000xi32, #tpu.memory_space<hbm>>) target(%arg5 : memref<10000xi32, #tpu.memory_space<vmem>>) target_semaphore(%run_scoped3A : memref<!tpu.dma_semaphore, #tpu.memory_space<semaphore_mem>>)
      %dma_wait3A = tpu.memref_slice %arg2[%add3A_7] : memref<320000xi32, #tpu.memory_space<hbm>> -> memref<10000xi32, #tpu.memory_space<hbm>>
      %dma_wait3A_21 = tpu.memref_slice %arg2[%add3A_7] : memref<320000xi32, #tpu.memory_space<hbm>> -> memref<10000xi32, #tpu.memory_space<hbm>>
      tpu.wait_dma2 semaphore(%run_scoped3A : memref<!tpu.dma_semaphore, #tpu.memory_space<semaphore_mem>>) src(%dma_wait3A_21 : memref<10000xi32, #tpu.memory_space<hbm>>) dst(%arg5 : memref<10000xi32, #tpu.memory_space<vmem>>)
      tpu.yield
    }) : () -> ()
    %scan3A_8 = arith.constant 0 : i32
    %scan3A_9 = arith.constant 625 : i32
    %scan3A_10 = arith.addi %scan3A_8, %scan3A_9 : i32
    %scan3A_11 = arith.constant 1 : i32
    scf.for %scan3A_20 = %scan3A_8 to %scan3A_10 step %scan3A_11  : i32 {
      %mul3A_21 = arith.constant 1 : i32
      %mul3A_22 = arith.muli %scan3A_20, %mul3A_21 : i32
      %add3A_23 = arith.constant 0 : i32
      %add3A_24 = arith.addi %add3A_23, %mul3A_22 : i32
      %mul3A_25 = arith.constant 16 : i32
      %mul3A_26 = arith.muli %add3A_24, %mul3A_25 : i32
      %get3A = arith.index_cast %mul3A_26 : i32 to index
      %get3A_27 = tpu.vector_load %arg5[%get3A] {strides = array<i32>} : memref<10000xi32, #tpu.memory_space<vmem>>, vector<16xi32>,
      %shift_right_logical3A = arith.constant 7 : i32
      %shift_right_logical3A_28 = vector.broadcast %shift_right_logical3A : i32 to vector<16xi32>
      %shift_right_logical3A_29 = arith.shrui %get3A_27, %shift_right_logical3A_28 : vector<16xi32>
      %and3A_30 = arith.constant 127 : i32
      %and3A_31 = vector.broadcast %and3A_30 : i32 to vector<16xi32>
      %and3A_32 = arith.andi %get3A_27, %and3A_31 : vector<16xi32>
      %broadcast_in_dim3A = arith.constant 1.000000e+00 : f32
      %broadcast_in_dim3A_33 = vector.broadcast %broadcast_in_dim3A : f32 to vector<16xf32>
      tpu.vector_store_idx %arg6[%shift_right_logical3A_29, %and3A_32], %broadcast_in_dim3A_33 {add = true} : memref<80x128xf32, #tpu.memory_space<vmem>>[vector<16xi32>, vector<16xi32>], vector<16xf32>,
    }
    %scan3A_12 = arith.constant 625 : i32
    %barrier3A = arith.constant 0 : index
    tpu.barrier barrier_id(%barrier3A)
    "tpu.region"() ({
      %run_scoped3A = tpu.sem_alloc : memref<!tpu.dma_semaphore, #tpu.memory_space<semaphore_mem>>
      %dma_start3A = arith.constant 0 : i32
      %dma_start3A_20 = arith.constant 0 : i32
      %dma_start3A_21 = tpu.memref_slice %arg8[%dma_start3A, %dma_start3A_20] : memref<80x128xf32, #tpu.memory_space<vmem_shared>> -> memref<80x128xf32, #tpu.memory_space<vmem_shared>>
      tpu.enqueue_indirect_dma source(%arg6 : memref<80x128xf32, #tpu.memory_space<vmem>>) target(%dma_start3A_21 : memref<80x128xf32, #tpu.memory_space<vmem_shared>>) offsets(%arg7 : memref<80xi32, #tpu.memory_space<vmem>>) semaphore(%run_scoped3A : memref<!tpu.dma_semaphore, #tpu.memory_space<semaphore_mem>>) {add = true}
      %dma_wait3A = arith.constant 0 : i32
      %dma_wait3A_22 = arith.constant 0 : i32
      %dma_wait3A_23 = tpu.memref_slice %arg8[%dma_wait3A, %dma_wait3A_22] : memref<80x128xf32, #tpu.memory_space<vmem_shared>> -> memref<80x128xf32, #tpu.memory_space<vmem_shared>>
      tpu.wait_indirect_dma semaphore(%run_scoped3A : memref<!tpu.dma_semaphore, #tpu.memory_space<semaphore_mem>>) src(%arg6 : memref<80x128xf32, #tpu.memory_space<vmem>>) dst(%dma_wait3A_23 : memref<80x128xf32, #tpu.memory_space<vmem_shared>>)
      tpu.yield
    }) : () -> ()
    %barrier3A_13 = arith.constant 0 : index
    tpu.barrier barrier_id(%barrier3A_13)
    %eq3A = arith.constant 0 : i32
    %eq3A_14 = arith.cmpi eq, %arg0, %eq3A : i32
    %lt3A_15 = arith.constant 10 : i32
    %lt3A_16 = arith.cmpi slt, %arg1, %lt3A_15 : i32
    %and3A = arith.andi %eq3A_14, %lt3A_16 : i1
    %convert_element_type3A_17 = arith.extui %and3A : i1 to i32
    %cond3A_18 = arith.constant 0 : i32
    %cond3A_19 = arith.cmpi ne, %convert_element_type3A_17, %cond3A_18 : i32
    scf.if %cond3A_19 {
      %mul3A_20 = arith.constant 8 : i32
      %mul3A_21 = arith.muli %arg1, %mul3A_20 : i32
      %mul3A_22 = arith.constant 8 : i32
      %mul3A_23 = arith.muli %arg1, %mul3A_22 : i32
      "tpu.region"() ({
        %run_scoped3A = tpu.sem_alloc : memref<!tpu.dma_semaphore, #tpu.memory_space<semaphore_mem>>
        %dma_start3A = arith.constant 0 : i32
        %dma_start3A_24 = tpu.memref_slice %arg4[%mul3A_23, %dma_start3A] : memref<80x128xf32, #tpu.memory_space<hbm>> -> memref<8x128xf32, #tpu.memory_space<hbm>>
        %dma_start3A_25 = arith.constant 0 : i32
        %dma_start3A_26 = tpu.memref_slice %arg8[%mul3A_21, %dma_start3A_25] : memref<80x128xf32, #tpu.memory_space<vmem_shared>> -> memref<8x128xf32, #tpu.memory_space<vmem_shared>>
        tpu.enqueue_dma source(%dma_start3A_26 : memref<8x128xf32, #tpu.memory_space<vmem_shared>>) target(%dma_start3A_24 : memref<8x128xf32, #tpu.memory_space<hbm>>) target_semaphore(%run_scoped3A : memref<!tpu.dma_semaphore, #tpu.memory_space<semaphore_mem>>)
        %dma_wait3A = arith.constant 0 : i32
        %dma_wait3A_27 = tpu.memref_slice %arg4[%mul3A_23, %dma_wait3A] : memref<80x128xf32, #tpu.memory_space<hbm>> -> memref<8x128xf32, #tpu.memory_space<hbm>>
        %dma_wait3A_28 = arith.constant 0 : i32
        %dma_wait3A_29 = tpu.memref_slice %arg8[%mul3A_21, %dma_wait3A_28] : memref<80x128xf32, #tpu.memory_space<vmem_shared>> -> memref<8x128xf32, #tpu.memory_space<vmem_shared>>
        tpu.wait_dma2 semaphore(%run_scoped3A : memref<!tpu.dma_semaphore, #tpu.memory_space<semaphore_mem>>) src(%dma_wait3A_29 : memref<8x128xf32, #tpu.memory_space<vmem_shared>>) dst(%dma_wait3A_27 : memref<8x128xf32, #tpu.memory_space<hbm>>)
        tpu.yield
      }) : () -> ()
    } else {
    }
    return
  }
}

#map = affine_map<(d0, d1) -> (0)>
#map1 = affine_map<(d0, d1) -> (0, 0)>
#map2 = affine_map<(d0, d1) -> (0, 0, 0)>
module attributes {stable_mosaic.version = 14 : i64} {
  func.func @_agg_body(%arg0: i32, %arg1: i32, %arg2: memref<320000xi32, #tpu.memory_space<hbm>>, %arg3: memref<20000x128xf32, #tpu.memory_space<hbm>>, %arg4: memref<2x10240x128xf32, #tpu.memory_space<hbm>>, %arg5: memref<10000xi32, #tpu.memory_space<vmem>>, %arg6: memref<10000xi32, #tpu.memory_space<vmem>>, %arg7: memref<40x128xf32, #tpu.memory_space<vmem>>, %arg8: memref<40x128xf32, #tpu.memory_space<vmem>>, %arg9: memref<40x128xf32, #tpu.memory_space<vmem>>, %arg10: memref<40x128xf32, #tpu.memory_space<vmem>>, %arg11: memref<8x128xf32, #tpu.memory_space<vmem>>, %arg12: memref<10240x128xf32, #tpu.memory_space<vmem_shared>>, %arg13: memref<!tpu.dma_semaphore, #tpu.memory_space<semaphore_mem>>, %arg14: memref<!tpu.dma_semaphore, #tpu.memory_space<semaphore_mem>>, %arg15: memref<!tpu.dma_semaphore, #tpu.memory_space<semaphore_mem>>, %arg16: memref<!tpu.dma_semaphore, #tpu.memory_space<semaphore_mem>>) attributes {dimension_semantics = [#tpu.dimension_semantics<core_parallel>, #tpu.dimension_semantics<subcore_parallel>], iteration_bounds = array<i64: 2, 16>, scalar_prefetch = 0 : i64, scratch_operands = 12 : i64, tpu.core_type = #tpu.core_type<sc_vector_subcore>, window_params = [{transform_indices = #map}, {transform_indices = #map1}, {transform_indices = #map2}]} {
    %mul3A = arith.constant 10000 : i32
    %mul3A_0 = arith.muli %arg1, %mul3A : i32
    "tpu.region"() ({
      %run_scoped3A = tpu.sem_alloc : memref<!tpu.dma_semaphore, #tpu.memory_space<semaphore_mem>>
      %dma_start3A_76 = tpu.memref_slice %arg2[%mul3A_0] : memref<320000xi32, #tpu.memory_space<hbm>> -> memref<10000xi32, #tpu.memory_space<hbm>>
      %dma_start3A_77 = tpu.memref_slice %arg2[%mul3A_0] : memref<320000xi32, #tpu.memory_space<hbm>> -> memref<10000xi32, #tpu.memory_space<hbm>>
      tpu.enqueue_dma source(%dma_start3A_77 : memref<10000xi32, #tpu.memory_space<hbm>>) target(%arg5 : memref<10000xi32, #tpu.memory_space<vmem>>) target_semaphore(%run_scoped3A : memref<!tpu.dma_semaphore, #tpu.memory_space<semaphore_mem>>)
      %dma_wait3A_78 = tpu.memref_slice %arg2[%mul3A_0] : memref<320000xi32, #tpu.memory_space<hbm>> -> memref<10000xi32, #tpu.memory_space<hbm>>
      %dma_wait3A_79 = tpu.memref_slice %arg2[%mul3A_0] : memref<320000xi32, #tpu.memory_space<hbm>> -> memref<10000xi32, #tpu.memory_space<hbm>>
      tpu.wait_dma2 semaphore(%run_scoped3A : memref<!tpu.dma_semaphore, #tpu.memory_space<semaphore_mem>>) src(%dma_wait3A_79 : memref<10000xi32, #tpu.memory_space<hbm>>) dst(%arg5 : memref<10000xi32, #tpu.memory_space<vmem>>)
      tpu.yield
    }) : () -> ()
    %scan3A = arith.constant 0 : i32
    %scan3A_1 = arith.constant 625 : i32
    %scan3A_2 = arith.addi %scan3A, %scan3A_1 : i32
    %scan3A_3 = arith.constant 1 : i32
    scf.for %scan3A_76 = %scan3A to %scan3A_2 step %scan3A_3  : i32 {
      %mul3A_77 = arith.constant 1 : i32
      %mul3A_78 = arith.muli %scan3A_76, %mul3A_77 : i32
      %add3A_79 = arith.constant 0 : i32
      %add3A_80 = arith.addi %add3A_79, %mul3A_78 : i32
      %mul3A_81 = arith.constant 16 : i32
      %mul3A_82 = arith.muli %add3A_80, %mul3A_81 : i32
      %get3A = arith.index_cast %mul3A_82 : i32 to index
      %get3A_83 = tpu.vector_load %arg5[%get3A] {strides = array<i32>} : memref<10000xi32, #tpu.memory_space<vmem>>, vector<16xi32>,
      %add3A_84 = arith.addi %get3A_83, %get3A_83 : vector<16xi32>
      %add3A_85 = vector.broadcast %arg0 : i32 to vector<16xi32>
      %add3A_86 = arith.addi %add3A_84, %add3A_85 : vector<16xi32>
      %mul3A_87 = arith.constant 16 : i32
      %mul3A_88 = arith.muli %add3A_80, %mul3A_87 : i32
      %swap3A = arith.index_cast %mul3A_88 : i32 to index
      %swap3A_89 = tpu.vector_load %arg5[%swap3A] {strides = array<i32>} : memref<10000xi32, #tpu.memory_space<vmem>>, vector<16xi32>,
      tpu.vector_store %arg5[%swap3A], %add3A_86 {strides = array<i32>} : memref<10000xi32, #tpu.memory_space<vmem>>, vector<16xi32>,
    }
    %scan3A_4 = arith.constant 625 : i32
    %scan3A_5 = arith.constant 0 : i32
    %scan3A_6 = arith.constant 8 : i32
    %scan3A_7 = arith.addi %scan3A_5, %scan3A_6 : i32
    %scan3A_8 = arith.constant 1 : i32
    scf.for %scan3A_76 = %scan3A_5 to %scan3A_7 step %scan3A_8  : i32 {
      %mul3A_77 = arith.constant 1 : i32
      %mul3A_78 = arith.muli %scan3A_76, %mul3A_77 : i32
      %add3A_79 = arith.constant 0 : i32
      %add3A_80 = arith.addi %add3A_79, %mul3A_78 : i32
      %broadcast_in_dim3A = arith.constant 0.000000e+00 : f32
      %broadcast_in_dim3A_81 = vector.broadcast %broadcast_in_dim3A : f32 to vector<16xf32>
      %swap3A = arith.index_cast %add3A_80 : i32 to index
      %swap3A_82 = arith.constant 0 : index
      %swap3A_83 = tpu.vector_load %arg11[%swap3A, %swap3A_82] {strides = array<i32>} : memref<8x128xf32, #tpu.memory_space<vmem>>, vector<16xf32>,
      tpu.vector_store %arg11[%swap3A, %swap3A_82], %broadcast_in_dim3A_81 {strides = array<i32>} : memref<8x128xf32, #tpu.memory_space<vmem>>, vector<16xf32>,
      %broadcast_in_dim3A_84 = arith.constant 0.000000e+00 : f32
      %broadcast_in_dim3A_85 = vector.broadcast %broadcast_in_dim3A_84 : f32 to vector<16xf32>
      %swap3A_86 = arith.index_cast %add3A_80 : i32 to index
      %swap3A_87 = arith.constant 16 : index
      %swap3A_88 = tpu.vector_load %arg11[%swap3A_86, %swap3A_87] {strides = array<i32>} : memref<8x128xf32, #tpu.memory_space<vmem>>, vector<16xf32>,
      tpu.vector_store %arg11[%swap3A_86, %swap3A_87], %broadcast_in_dim3A_85 {strides = array<i32>} : memref<8x128xf32, #tpu.memory_space<vmem>>, vector<16xf32>,
      %broadcast_in_dim3A_89 = arith.constant 0.000000e+00 : f32
      %broadcast_in_dim3A_90 = vector.broadcast %broadcast_in_dim3A_89 : f32 to vector<16xf32>
      %swap3A_91 = arith.index_cast %add3A_80 : i32 to index
      %swap3A_92 = arith.constant 32 : index
      %swap3A_93 = tpu.vector_load %arg11[%swap3A_91, %swap3A_92] {strides = array<i32>} : memref<8x128xf32, #tpu.memory_space<vmem>>, vector<16xf32>,
      tpu.vector_store %arg11[%swap3A_91, %swap3A_92], %broadcast_in_dim3A_90 {strides = array<i32>} : memref<8x128xf32, #tpu.memory_space<vmem>>, vector<16xf32>,
      %broadcast_in_dim3A_94 = arith.constant 0.000000e+00 : f32
      %broadcast_in_dim3A_95 = vector.broadcast %broadcast_in_dim3A_94 : f32 to vector<16xf32>
      %swap3A_96 = arith.index_cast %add3A_80 : i32 to index
      %swap3A_97 = arith.constant 48 : index
      %swap3A_98 = tpu.vector_load %arg11[%swap3A_96, %swap3A_97] {strides = array<i32>} : memref<8x128xf32, #tpu.memory_space<vmem>>, vector<16xf32>,
      tpu.vector_store %arg11[%swap3A_96, %swap3A_97], %broadcast_in_dim3A_95 {strides = array<i32>} : memref<8x128xf32, #tpu.memory_space<vmem>>, vector<16xf32>,
      %broadcast_in_dim3A_99 = arith.constant 0.000000e+00 : f32
      %broadcast_in_dim3A_100 = vector.broadcast %broadcast_in_dim3A_99 : f32 to vector<16xf32>
      %swap3A_101 = arith.index_cast %add3A_80 : i32 to index
      %swap3A_102 = arith.constant 64 : index
      %swap3A_103 = tpu.vector_load %arg11[%swap3A_101, %swap3A_102] {strides = array<i32>} : memref<8x128xf32, #tpu.memory_space<vmem>>, vector<16xf32>,
      tpu.vector_store %arg11[%swap3A_101, %swap3A_102], %broadcast_in_dim3A_100 {strides = array<i32>} : memref<8x128xf32, #tpu.memory_space<vmem>>, vector<16xf32>,
      %broadcast_in_dim3A_104 = arith.constant 0.000000e+00 : f32
      %broadcast_in_dim3A_105 = vector.broadcast %broadcast_in_dim3A_104 : f32 to vector<16xf32>
      %swap3A_106 = arith.index_cast %add3A_80 : i32 to index
      %swap3A_107 = arith.constant 80 : index
      %swap3A_108 = tpu.vector_load %arg11[%swap3A_106, %swap3A_107] {strides = array<i32>} : memref<8x128xf32, #tpu.memory_space<vmem>>, vector<16xf32>,
      tpu.vector_store %arg11[%swap3A_106, %swap3A_107], %broadcast_in_dim3A_105 {strides = array<i32>} : memref<8x128xf32, #tpu.memory_space<vmem>>, vector<16xf32>,
      %broadcast_in_dim3A_109 = arith.constant 0.000000e+00 : f32
      %broadcast_in_dim3A_110 = vector.broadcast %broadcast_in_dim3A_109 : f32 to vector<16xf32>
      %swap3A_111 = arith.index_cast %add3A_80 : i32 to index
      %swap3A_112 = arith.constant 96 : index
      %swap3A_113 = tpu.vector_load %arg11[%swap3A_111, %swap3A_112] {strides = array<i32>} : memref<8x128xf32, #tpu.memory_space<vmem>>, vector<16xf32>,
      tpu.vector_store %arg11[%swap3A_111, %swap3A_112], %broadcast_in_dim3A_110 {strides = array<i32>} : memref<8x128xf32, #tpu.memory_space<vmem>>, vector<16xf32>,
      %broadcast_in_dim3A_114 = arith.constant 0.000000e+00 : f32
      %broadcast_in_dim3A_115 = vector.broadcast %broadcast_in_dim3A_114 : f32 to vector<16xf32>
      %swap3A_116 = arith.index_cast %add3A_80 : i32 to index
      %swap3A_117 = arith.constant 112 : index
      %swap3A_118 = tpu.vector_load %arg11[%swap3A_116, %swap3A_117] {strides = array<i32>} : memref<8x128xf32, #tpu.memory_space<vmem>>, vector<16xf32>,
      tpu.vector_store %arg11[%swap3A_116, %swap3A_117], %broadcast_in_dim3A_115 {strides = array<i32>} : memref<8x128xf32, #tpu.memory_space<vmem>>, vector<16xf32>,
    }
    %scan3A_9 = arith.constant 8 : i32
    %scan3A_10 = arith.constant 0 : i32
    %scan3A_11 = arith.constant 80 : i32
    %scan3A_12 = arith.addi %scan3A_10, %scan3A_11 : i32
    %scan3A_13 = arith.constant 1 : i32
    scf.for %scan3A_76 = %scan3A_10 to %scan3A_12 step %scan3A_13  : i32 {
      %mul3A_77 = arith.constant 1 : i32
      %mul3A_78 = arith.muli %scan3A_76, %mul3A_77 : i32
      %add3A_79 = arith.constant 0 : i32
      %add3A_80 = arith.addi %add3A_79, %mul3A_78 : i32
      %mul3A_81 = arith.constant 640 : i32
      %mul3A_82 = arith.muli %arg1, %mul3A_81 : i32
      %mul3A_83 = arith.constant 8 : i32
      %mul3A_84 = arith.muli %add3A_80, %mul3A_83 : i32
      %add3A_85 = arith.addi %mul3A_82, %mul3A_84 : i32
      "tpu.region"() ({
        %run_scoped3A = tpu.sem_alloc : memref<!tpu.dma_semaphore, #tpu.memory_space<semaphore_mem>>
        %dma_start3A_86 = arith.constant 0 : i32
        %dma_start3A_87 = tpu.memref_slice %arg12[%add3A_85, %dma_start3A_86] : memref<10240x128xf32, #tpu.memory_space<vmem_shared>> -> memref<8x128xf32, #tpu.memory_space<vmem_shared>>
        %dma_start3A_88 = arith.constant 0 : i32
        %dma_start3A_89 = tpu.memref_slice %arg12[%add3A_85, %dma_start3A_88] : memref<10240x128xf32, #tpu.memory_space<vmem_shared>> -> memref<8x128xf32, #tpu.memory_space<vmem_shared>>
        tpu.enqueue_dma source(%arg11 : memref<8x128xf32, #tpu.memory_space<vmem>>) target(%dma_start3A_89 : memref<8x128xf32, #tpu.memory_space<vmem_shared>>) target_semaphore(%run_scoped3A : memref<!tpu.dma_semaphore, #tpu.memory_space<semaphore_mem>>)
        %dma_wait3A_90 = arith.constant 0 : i32
        %dma_wait3A_91 = tpu.memref_slice %arg12[%add3A_85, %dma_wait3A_90] : memref<10240x128xf32, #tpu.memory_space<vmem_shared>> -> memref<8x128xf32, #tpu.memory_space<vmem_shared>>
        %dma_wait3A_92 = arith.constant 0 : i32
        %dma_wait3A_93 = tpu.memref_slice %arg12[%add3A_85, %dma_wait3A_92] : memref<10240x128xf32, #tpu.memory_space<vmem_shared>> -> memref<8x128xf32, #tpu.memory_space<vmem_shared>>
        tpu.wait_dma2 semaphore(%run_scoped3A : memref<!tpu.dma_semaphore, #tpu.memory_space<semaphore_mem>>) src(%arg11 : memref<8x128xf32, #tpu.memory_space<vmem>>) dst(%dma_wait3A_93 : memref<8x128xf32, #tpu.memory_space<vmem_shared>>)
        tpu.yield
      }) : () -> ()
    }
    %scan3A_14 = arith.constant 80 : i32
    %mul3A_15 = arith.constant 10000 : i32
    %mul3A_16 = arith.muli %arg1, %mul3A_15 : i32
    %add3A = arith.constant 160000 : i32
    %add3A_17 = arith.addi %add3A, %mul3A_16 : i32
    "tpu.region"() ({
      %run_scoped3A = tpu.sem_alloc : memref<!tpu.dma_semaphore, #tpu.memory_space<semaphore_mem>>
      %dma_start3A_76 = tpu.memref_slice %arg2[%add3A_17] : memref<320000xi32, #tpu.memory_space<hbm>> -> memref<10000xi32, #tpu.memory_space<hbm>>
      %dma_start3A_77 = tpu.memref_slice %arg2[%add3A_17] : memref<320000xi32, #tpu.memory_space<hbm>> -> memref<10000xi32, #tpu.memory_space<hbm>>
      tpu.enqueue_dma source(%dma_start3A_77 : memref<10000xi32, #tpu.memory_space<hbm>>) target(%arg6 : memref<10000xi32, #tpu.memory_space<vmem>>) target_semaphore(%run_scoped3A : memref<!tpu.dma_semaphore, #tpu.memory_space<semaphore_mem>>)
      %dma_wait3A_78 = tpu.memref_slice %arg2[%add3A_17] : memref<320000xi32, #tpu.memory_space<hbm>> -> memref<10000xi32, #tpu.memory_space<hbm>>
      %dma_wait3A_79 = tpu.memref_slice %arg2[%add3A_17] : memref<320000xi32, #tpu.memory_space<hbm>> -> memref<10000xi32, #tpu.memory_space<hbm>>
      tpu.wait_dma2 semaphore(%run_scoped3A : memref<!tpu.dma_semaphore, #tpu.memory_space<semaphore_mem>>) src(%dma_wait3A_79 : memref<10000xi32, #tpu.memory_space<hbm>>) dst(%arg6 : memref<10000xi32, #tpu.memory_space<vmem>>)
      tpu.yield
    }) : () -> ()
    %barrier3A = arith.constant 0 : index
    tpu.barrier barrier_id(%barrier3A)
    %dma_start3A = arith.constant 0 : i32
    %dma_start3A_18 = tpu.memref_slice %arg5[%dma_start3A] : memref<10000xi32, #tpu.memory_space<vmem>> -> memref<40xi32, #tpu.memory_space<vmem>>
    %dma_start3A_19 = arith.constant 0 : i32
    %dma_start3A_20 = arith.constant 0 : i32
    %dma_start3A_21 = tpu.memref_slice %arg3[%dma_start3A_19, %dma_start3A_20] : memref<20000x128xf32, #tpu.memory_space<hbm>> -> memref<20000x128xf32, #tpu.memory_space<hbm>>
    tpu.enqueue_indirect_dma source(%dma_start3A_21 : memref<20000x128xf32, #tpu.memory_space<hbm>>) target(%arg7 : memref<40x128xf32, #tpu.memory_space<vmem>>) offsets(%dma_start3A_18 : memref<40xi32, #tpu.memory_space<vmem>>) semaphore(%arg13 : memref<!tpu.dma_semaphore, #tpu.memory_space<semaphore_mem>>)
    %dma_start3A_22 = arith.constant 40 : i32
    %dma_start3A_23 = tpu.memref_slice %arg5[%dma_start3A_22] : memref<10000xi32, #tpu.memory_space<vmem>> -> memref<40xi32, #tpu.memory_space<vmem>>
    %dma_start3A_24 = arith.constant 0 : i32
    %dma_start3A_25 = arith.constant 0 : i32
    %dma_start3A_26 = tpu.memref_slice %arg3[%dma_start3A_24, %dma_start3A_25] : memref<20000x128xf32, #tpu.memory_space<hbm>> -> memref<20000x128xf32, #tpu.memory_space<hbm>>
    tpu.enqueue_indirect_dma source(%dma_start3A_26 : memref<20000x128xf32, #tpu.memory_space<hbm>>) target(%arg8 : memref<40x128xf32, #tpu.memory_space<vmem>>) offsets(%dma_start3A_23 : memref<40xi32, #tpu.memory_space<vmem>>) semaphore(%arg14 : memref<!tpu.dma_semaphore, #tpu.memory_space<semaphore_mem>>)
    %dma_start3A_27 = arith.constant 80 : i32
    %dma_start3A_28 = tpu.memref_slice %arg5[%dma_start3A_27] : memref<10000xi32, #tpu.memory_space<vmem>> -> memref<40xi32, #tpu.memory_space<vmem>>
    %dma_start3A_29 = arith.constant 0 : i32
    %dma_start3A_30 = arith.constant 0 : i32
    %dma_start3A_31 = tpu.memref_slice %arg3[%dma_start3A_29, %dma_start3A_30] : memref<20000x128xf32, #tpu.memory_space<hbm>> -> memref<20000x128xf32, #tpu.memory_space<hbm>>
    tpu.enqueue_indirect_dma source(%dma_start3A_31 : memref<20000x128xf32, #tpu.memory_space<hbm>>) target(%arg9 : memref<40x128xf32, #tpu.memory_space<vmem>>) offsets(%dma_start3A_28 : memref<40xi32, #tpu.memory_space<vmem>>) semaphore(%arg15 : memref<!tpu.dma_semaphore, #tpu.memory_space<semaphore_mem>>)
    %dma_start3A_32 = arith.constant 120 : i32
    %dma_start3A_33 = tpu.memref_slice %arg5[%dma_start3A_32] : memref<10000xi32, #tpu.memory_space<vmem>> -> memref<40xi32, #tpu.memory_space<vmem>>
    %dma_start3A_34 = arith.constant 0 : i32
    %dma_start3A_35 = arith.constant 0 : i32
    %dma_start3A_36 = tpu.memref_slice %arg3[%dma_start3A_34, %dma_start3A_35] : memref<20000x128xf32, #tpu.memory_space<hbm>> -> memref<20000x128xf32, #tpu.memory_space<hbm>>
    tpu.enqueue_indirect_dma source(%dma_start3A_36 : memref<20000x128xf32, #tpu.memory_space<hbm>>) target(%arg10 : memref<40x128xf32, #tpu.memory_space<vmem>>) offsets(%dma_start3A_33 : memref<40xi32, #tpu.memory_space<vmem>>) semaphore(%arg16 : memref<!tpu.dma_semaphore, #tpu.memory_space<semaphore_mem>>)
    %scan3A_37 = arith.constant 0 : i32
    %scan3A_38 = arith.constant 62 : i32
    %scan3A_39 = arith.addi %scan3A_37, %scan3A_38 : i32
    %scan3A_40 = arith.constant 1 : i32
    scf.for %scan3A_76 = %scan3A_37 to %scan3A_39 step %scan3A_40  : i32 {
      %mul3A_77 = arith.constant 1 : i32
      %mul3A_78 = arith.muli %scan3A_76, %mul3A_77 : i32
      %add3A_79 = arith.constant 0 : i32
      %add3A_80 = arith.addi %add3A_79, %mul3A_78 : i32
      %mul3A_81 = arith.constant 4 : i32
      %mul3A_82 = arith.muli %add3A_80, %mul3A_81 : i32
      %add3A_83 = arith.constant 0 : i32
      %add3A_84 = arith.addi %mul3A_82, %add3A_83 : i32
      %mul3A_85 = arith.constant 40 : i32
      %mul3A_86 = arith.muli %add3A_84, %mul3A_85 : i32
      %dma_wait3A_87 = tpu.memref_slice %arg5[%mul3A_86] : memref<10000xi32, #tpu.memory_space<vmem>> -> memref<40xi32, #tpu.memory_space<vmem>>
      %dma_wait3A_88 = arith.constant 0 : i32
      %dma_wait3A_89 = arith.constant 0 : i32
      %dma_wait3A_90 = tpu.memref_slice %arg3[%dma_wait3A_88, %dma_wait3A_89] : memref<20000x128xf32, #tpu.memory_space<hbm>> -> memref<20000x128xf32, #tpu.memory_space<hbm>>
      tpu.wait_indirect_dma semaphore(%arg13 : memref<!tpu.dma_semaphore, #tpu.memory_space<semaphore_mem>>) src(%dma_wait3A_90 : memref<20000x128xf32, #tpu.memory_space<hbm>>) dst(%arg7 : memref<40x128xf32, #tpu.memory_space<vmem>>)
      %add3A_91 = arith.constant 0 : i32
      %add3A_92 = arith.addi %mul3A_82, %add3A_91 : i32
      %mul3A_93 = arith.constant 40 : i32
      %mul3A_94 = arith.muli %add3A_92, %mul3A_93 : i32
      %dma_start3A_95 = tpu.memref_slice %arg6[%mul3A_94] : memref<10000xi32, #tpu.memory_space<vmem>> -> memref<40xi32, #tpu.memory_space<vmem>>
      %dma_start3A_96 = arith.constant 0 : i32
      %dma_start3A_97 = arith.constant 0 : i32
      %dma_start3A_98 = tpu.memref_slice %arg12[%dma_start3A_96, %dma_start3A_97] : memref<10240x128xf32, #tpu.memory_space<vmem_shared>> -> memref<10240x128xf32, #tpu.memory_space<vmem_shared>>
      tpu.enqueue_indirect_dma source(%arg7 : memref<40x128xf32, #tpu.memory_space<vmem>>) target(%dma_start3A_98 : memref<10240x128xf32, #tpu.memory_space<vmem_shared>>) offsets(%dma_start3A_95 : memref<40xi32, #tpu.memory_space<vmem>>) semaphore(%arg13 : memref<!tpu.dma_semaphore, #tpu.memory_space<semaphore_mem>>) {add = true}
      %add3A_99 = arith.constant 1 : i32
      %add3A_100 = arith.addi %mul3A_82, %add3A_99 : i32
      %mul3A_101 = arith.constant 40 : i32
      %mul3A_102 = arith.muli %add3A_100, %mul3A_101 : i32
      %dma_wait3A_103 = tpu.memref_slice %arg5[%mul3A_102] : memref<10000xi32, #tpu.memory_space<vmem>> -> memref<40xi32, #tpu.memory_space<vmem>>
      %dma_wait3A_104 = arith.constant 0 : i32
      %dma_wait3A_105 = arith.constant 0 : i32
      %dma_wait3A_106 = tpu.memref_slice %arg3[%dma_wait3A_104, %dma_wait3A_105] : memref<20000x128xf32, #tpu.memory_space<hbm>> -> memref<20000x128xf32, #tpu.memory_space<hbm>>
      tpu.wait_indirect_dma semaphore(%arg14 : memref<!tpu.dma_semaphore, #tpu.memory_space<semaphore_mem>>) src(%dma_wait3A_106 : memref<20000x128xf32, #tpu.memory_space<hbm>>) dst(%arg8 : memref<40x128xf32, #tpu.memory_space<vmem>>)
      %add3A_107 = arith.constant 1 : i32
      %add3A_108 = arith.addi %mul3A_82, %add3A_107 : i32
      %mul3A_109 = arith.constant 40 : i32
      %mul3A_110 = arith.muli %add3A_108, %mul3A_109 : i32
      %dma_start3A_111 = tpu.memref_slice %arg6[%mul3A_110] : memref<10000xi32, #tpu.memory_space<vmem>> -> memref<40xi32, #tpu.memory_space<vmem>>
      %dma_start3A_112 = arith.constant 0 : i32
      %dma_start3A_113 = arith.constant 0 : i32
      %dma_start3A_114 = tpu.memref_slice %arg12[%dma_start3A_112, %dma_start3A_113] : memref<10240x128xf32, #tpu.memory_space<vmem_shared>> -> memref<10240x128xf32, #tpu.memory_space<vmem_shared>>
      tpu.enqueue_indirect_dma source(%arg8 : memref<40x128xf32, #tpu.memory_space<vmem>>) target(%dma_start3A_114 : memref<10240x128xf32, #tpu.memory_space<vmem_shared>>) offsets(%dma_start3A_111 : memref<40xi32, #tpu.memory_space<vmem>>) semaphore(%arg14 : memref<!tpu.dma_semaphore, #tpu.memory_space<semaphore_mem>>) {add = true}
      %add3A_115 = arith.constant 2 : i32
      %add3A_116 = arith.addi %mul3A_82, %add3A_115 : i32
      %mul3A_117 = arith.constant 40 : i32
      %mul3A_118 = arith.muli %add3A_116, %mul3A_117 : i32
      %dma_wait3A_119 = tpu.memref_slice %arg5[%mul3A_118] : memref<10000xi32, #tpu.memory_space<vmem>> -> memref<40xi32, #tpu.memory_space<vmem>>
      %dma_wait3A_120 = arith.constant 0 : i32
      %dma_wait3A_121 = arith.constant 0 : i32
      %dma_wait3A_122 = tpu.memref_slice %arg3[%dma_wait3A_120, %dma_wait3A_121] : memref<20000x128xf32, #tpu.memory_space<hbm>> -> memref<20000x128xf32, #tpu.memory_space<hbm>>
      tpu.wait_indirect_dma semaphore(%arg15 : memref<!tpu.dma_semaphore, #tpu.memory_space<semaphore_mem>>) src(%dma_wait3A_122 : memref<20000x128xf32, #tpu.memory_space<hbm>>) dst(%arg9 : memref<40x128xf32, #tpu.memory_space<vmem>>)
      %add3A_123 = arith.constant 2 : i32
      %add3A_124 = arith.addi %mul3A_82, %add3A_123 : i32
      %mul3A_125 = arith.constant 40 : i32
      %mul3A_126 = arith.muli %add3A_124, %mul3A_125 : i32
      %dma_start3A_127 = tpu.memref_slice %arg6[%mul3A_126] : memref<10000xi32, #tpu.memory_space<vmem>> -> memref<40xi32, #tpu.memory_space<vmem>>
      %dma_start3A_128 = arith.constant 0 : i32
      %dma_start3A_129 = arith.constant 0 : i32
      %dma_start3A_130 = tpu.memref_slice %arg12[%dma_start3A_128, %dma_start3A_129] : memref<10240x128xf32, #tpu.memory_space<vmem_shared>> -> memref<10240x128xf32, #tpu.memory_space<vmem_shared>>
      tpu.enqueue_indirect_dma source(%arg9 : memref<40x128xf32, #tpu.memory_space<vmem>>) target(%dma_start3A_130 : memref<10240x128xf32, #tpu.memory_space<vmem_shared>>) offsets(%dma_start3A_127 : memref<40xi32, #tpu.memory_space<vmem>>) semaphore(%arg15 : memref<!tpu.dma_semaphore, #tpu.memory_space<semaphore_mem>>) {add = true}
      %add3A_131 = arith.constant 3 : i32
      %add3A_132 = arith.addi %mul3A_82, %add3A_131 : i32
      %mul3A_133 = arith.constant 40 : i32
      %mul3A_134 = arith.muli %add3A_132, %mul3A_133 : i32
      %dma_wait3A_135 = tpu.memref_slice %arg5[%mul3A_134] : memref<10000xi32, #tpu.memory_space<vmem>> -> memref<40xi32, #tpu.memory_space<vmem>>
      %dma_wait3A_136 = arith.constant 0 : i32
      %dma_wait3A_137 = arith.constant 0 : i32
      %dma_wait3A_138 = tpu.memref_slice %arg3[%dma_wait3A_136, %dma_wait3A_137] : memref<20000x128xf32, #tpu.memory_space<hbm>> -> memref<20000x128xf32, #tpu.memory_space<hbm>>
      tpu.wait_indirect_dma semaphore(%arg16 : memref<!tpu.dma_semaphore, #tpu.memory_space<semaphore_mem>>) src(%dma_wait3A_138 : memref<20000x128xf32, #tpu.memory_space<hbm>>) dst(%arg10 : memref<40x128xf32, #tpu.memory_space<vmem>>)
      %add3A_139 = arith.constant 3 : i32
      %add3A_140 = arith.addi %mul3A_82, %add3A_139 : i32
      %mul3A_141 = arith.constant 40 : i32
      %mul3A_142 = arith.muli %add3A_140, %mul3A_141 : i32
      %dma_start3A_143 = tpu.memref_slice %arg6[%mul3A_142] : memref<10000xi32, #tpu.memory_space<vmem>> -> memref<40xi32, #tpu.memory_space<vmem>>
      %dma_start3A_144 = arith.constant 0 : i32
      %dma_start3A_145 = arith.constant 0 : i32
      %dma_start3A_146 = tpu.memref_slice %arg12[%dma_start3A_144, %dma_start3A_145] : memref<10240x128xf32, #tpu.memory_space<vmem_shared>> -> memref<10240x128xf32, #tpu.memory_space<vmem_shared>>
      tpu.enqueue_indirect_dma source(%arg10 : memref<40x128xf32, #tpu.memory_space<vmem>>) target(%dma_start3A_146 : memref<10240x128xf32, #tpu.memory_space<vmem_shared>>) offsets(%dma_start3A_143 : memref<40xi32, #tpu.memory_space<vmem>>) semaphore(%arg16 : memref<!tpu.dma_semaphore, #tpu.memory_space<semaphore_mem>>) {add = true}
      %add3A_147 = arith.constant 0 : i32
      %add3A_148 = arith.addi %mul3A_82, %add3A_147 : i32
      %mul3A_149 = arith.constant 40 : i32
      %mul3A_150 = arith.muli %add3A_148, %mul3A_149 : i32
      %dma_wait3A_151 = tpu.memref_slice %arg6[%mul3A_150] : memref<10000xi32, #tpu.memory_space<vmem>> -> memref<40xi32, #tpu.memory_space<vmem>>
      %dma_wait3A_152 = arith.constant 0 : i32
      %dma_wait3A_153 = arith.constant 0 : i32
      %dma_wait3A_154 = tpu.memref_slice %arg12[%dma_wait3A_152, %dma_wait3A_153] : memref<10240x128xf32, #tpu.memory_space<vmem_shared>> -> memref<10240x128xf32, #tpu.memory_space<vmem_shared>>
      tpu.wait_indirect_dma semaphore(%arg13 : memref<!tpu.dma_semaphore, #tpu.memory_space<semaphore_mem>>) src(%arg7 : memref<40x128xf32, #tpu.memory_space<vmem>>) dst(%dma_wait3A_154 : memref<10240x128xf32, #tpu.memory_space<vmem_shared>>)
      %add3A_155 = arith.constant 4 : i32
      %add3A_156 = arith.addi %mul3A_82, %add3A_155 : i32
      %add3A_157 = arith.constant 0 : i32
      %add3A_158 = arith.addi %add3A_156, %add3A_157 : i32
      %lt3A = arith.constant 250 : i32
      %lt3A_159 = arith.cmpi slt, %add3A_158, %lt3A : i32
      %convert_element_type3A = arith.extui %lt3A_159 : i1 to i32
      %cond3A = arith.constant 0 : i32
      %cond3A_160 = arith.cmpi ne, %convert_element_type3A, %cond3A : i32
      scf.if %cond3A_160 {
        %add3A_212 = arith.constant 4 : i32
        %add3A_213 = arith.addi %mul3A_82, %add3A_212 : i32
        %add3A_214 = arith.constant 0 : i32
        %add3A_215 = arith.addi %add3A_213, %add3A_214 : i32
        %mul3A_216 = arith.constant 40 : i32
        %mul3A_217 = arith.muli %add3A_215, %mul3A_216 : i32
        %dma_start3A_218 = tpu.memref_slice %arg5[%mul3A_217] : memref<10000xi32, #tpu.memory_space<vmem>> -> memref<40xi32, #tpu.memory_space<vmem>>
        %dma_start3A_219 = arith.constant 0 : i32
        %dma_start3A_220 = arith.constant 0 : i32
        %dma_start3A_221 = tpu.memref_slice %arg3[%dma_start3A_219, %dma_start3A_220] : memref<20000x128xf32, #tpu.memory_space<hbm>> -> memref<20000x128xf32, #tpu.memory_space<hbm>>
        tpu.enqueue_indirect_dma source(%dma_start3A_221 : memref<20000x128xf32, #tpu.memory_space<hbm>>) target(%arg7 : memref<40x128xf32, #tpu.memory_space<vmem>>) offsets(%dma_start3A_218 : memref<40xi32, #tpu.memory_space<vmem>>) semaphore(%arg13 : memref<!tpu.dma_semaphore, #tpu.memory_space<semaphore_mem>>)
      } else {
      }
      %add3A_161 = arith.constant 1 : i32
      %add3A_162 = arith.addi %mul3A_82, %add3A_161 : i32
      %mul3A_163 = arith.constant 40 : i32
      %mul3A_164 = arith.muli %add3A_162, %mul3A_163 : i32
      %dma_wait3A_165 = tpu.memref_slice %arg6[%mul3A_164] : memref<10000xi32, #tpu.memory_space<vmem>> -> memref<40xi32, #tpu.memory_space<vmem>>
      %dma_wait3A_166 = arith.constant 0 : i32
      %dma_wait3A_167 = arith.constant 0 : i32
      %dma_wait3A_168 = tpu.memref_slice %arg12[%dma_wait3A_166, %dma_wait3A_167] : memref<10240x128xf32, #tpu.memory_space<vmem_shared>> -> memref<10240x128xf32, #tpu.memory_space<vmem_shared>>
      tpu.wait_indirect_dma semaphore(%arg14 : memref<!tpu.dma_semaphore, #tpu.memory_space<semaphore_mem>>) src(%arg8 : memref<40x128xf32, #tpu.memory_space<vmem>>) dst(%dma_wait3A_168 : memref<10240x128xf32, #tpu.memory_space<vmem_shared>>)
      %add3A_169 = arith.constant 4 : i32
      %add3A_170 = arith.addi %mul3A_82, %add3A_169 : i32
      %add3A_171 = arith.constant 1 : i32
      %add3A_172 = arith.addi %add3A_170, %add3A_171 : i32
      %lt3A_173 = arith.constant 250 : i32
      %lt3A_174 = arith.cmpi slt, %add3A_172, %lt3A_173 : i32
      %convert_element_type3A_175 = arith.extui %lt3A_174 : i1 to i32
      %cond3A_176 = arith.constant 0 : i32
      %cond3A_177 = arith.cmpi ne, %convert_element_type3A_175, %cond3A_176 : i32
      scf.if %cond3A_177 {
        %add3A_212 = arith.constant 4 : i32
        %add3A_213 = arith.addi %mul3A_82, %add3A_212 : i32
        %add3A_214 = arith.constant 1 : i32
        %add3A_215 = arith.addi %add3A_213, %add3A_214 : i32
        %mul3A_216 = arith.constant 40 : i32
        %mul3A_217 = arith.muli %add3A_215, %mul3A_216 : i32
        %dma_start3A_218 = tpu.memref_slice %arg5[%mul3A_217] : memref<10000xi32, #tpu.memory_space<vmem>> -> memref<40xi32, #tpu.memory_space<vmem>>
        %dma_start3A_219 = arith.constant 0 : i32
        %dma_start3A_220 = arith.constant 0 : i32
        %dma_start3A_221 = tpu.memref_slice %arg3[%dma_start3A_219, %dma_start3A_220] : memref<20000x128xf32, #tpu.memory_space<hbm>> -> memref<20000x128xf32, #tpu.memory_space<hbm>>
        tpu.enqueue_indirect_dma source(%dma_start3A_221 : memref<20000x128xf32, #tpu.memory_space<hbm>>) target(%arg8 : memref<40x128xf32, #tpu.memory_space<vmem>>) offsets(%dma_start3A_218 : memref<40xi32, #tpu.memory_space<vmem>>) semaphore(%arg14 : memref<!tpu.dma_semaphore, #tpu.memory_space<semaphore_mem>>)
      } else {
      }
      %add3A_178 = arith.constant 2 : i32
      %add3A_179 = arith.addi %mul3A_82, %add3A_178 : i32
      %mul3A_180 = arith.constant 40 : i32
      %mul3A_181 = arith.muli %add3A_179, %mul3A_180 : i32
      %dma_wait3A_182 = tpu.memref_slice %arg6[%mul3A_181] : memref<10000xi32, #tpu.memory_space<vmem>> -> memref<40xi32, #tpu.memory_space<vmem>>
      %dma_wait3A_183 = arith.constant 0 : i32
      %dma_wait3A_184 = arith.constant 0 : i32
      %dma_wait3A_185 = tpu.memref_slice %arg12[%dma_wait3A_183, %dma_wait3A_184] : memref<10240x128xf32, #tpu.memory_space<vmem_shared>> -> memref<10240x128xf32, #tpu.memory_space<vmem_shared>>
      tpu.wait_indirect_dma semaphore(%arg15 : memref<!tpu.dma_semaphore, #tpu.memory_space<semaphore_mem>>) src(%arg9 : memref<40x128xf32, #tpu.memory_space<vmem>>) dst(%dma_wait3A_185 : memref<10240x128xf32, #tpu.memory_space<vmem_shared>>)
      %add3A_186 = arith.constant 4 : i32
      %add3A_187 = arith.addi %mul3A_82, %add3A_186 : i32
      %add3A_188 = arith.constant 2 : i32
      %add3A_189 = arith.addi %add3A_187, %add3A_188 : i32
      %lt3A_190 = arith.constant 250 : i32
      %lt3A_191 = arith.cmpi slt, %add3A_189, %lt3A_190 : i32
      %convert_element_type3A_192 = arith.extui %lt3A_191 : i1 to i32
      %cond3A_193 = arith.constant 0 : i32
      %cond3A_194 = arith.cmpi ne, %convert_element_type3A_192, %cond3A_193 : i32
      scf.if %cond3A_194 {
        %add3A_212 = arith.constant 4 : i32
        %add3A_213 = arith.addi %mul3A_82, %add3A_212 : i32
        %add3A_214 = arith.constant 2 : i32
        %add3A_215 = arith.addi %add3A_213, %add3A_214 : i32
        %mul3A_216 = arith.constant 40 : i32
        %mul3A_217 = arith.muli %add3A_215, %mul3A_216 : i32
        %dma_start3A_218 = tpu.memref_slice %arg5[%mul3A_217] : memref<10000xi32, #tpu.memory_space<vmem>> -> memref<40xi32, #tpu.memory_space<vmem>>
        %dma_start3A_219 = arith.constant 0 : i32
        %dma_start3A_220 = arith.constant 0 : i32
        %dma_start3A_221 = tpu.memref_slice %arg3[%dma_start3A_219, %dma_start3A_220] : memref<20000x128xf32, #tpu.memory_space<hbm>> -> memref<20000x128xf32, #tpu.memory_space<hbm>>
        tpu.enqueue_indirect_dma source(%dma_start3A_221 : memref<20000x128xf32, #tpu.memory_space<hbm>>) target(%arg9 : memref<40x128xf32, #tpu.memory_space<vmem>>) offsets(%dma_start3A_218 : memref<40xi32, #tpu.memory_space<vmem>>) semaphore(%arg15 : memref<!tpu.dma_semaphore, #tpu.memory_space<semaphore_mem>>)
      } else {
      }
      %add3A_195 = arith.constant 3 : i32
      %add3A_196 = arith.addi %mul3A_82, %add3A_195 : i32
      %mul3A_197 = arith.constant 40 : i32
      %mul3A_198 = arith.muli %add3A_196, %mul3A_197 : i32
      %dma_wait3A_199 = tpu.memref_slice %arg6[%mul3A_198] : memref<10000xi32, #tpu.memory_space<vmem>> -> memref<40xi32, #tpu.memory_space<vmem>>
      %dma_wait3A_200 = arith.constant 0 : i32
      %dma_wait3A_201 = arith.constant 0 : i32
      %dma_wait3A_202 = tpu.memref_slice %arg12[%dma_wait3A_200, %dma_wait3A_201] : memref<10240x128xf32, #tpu.memory_space<vmem_shared>> -> memref<10240x128xf32, #tpu.memory_space<vmem_shared>>
      tpu.wait_indirect_dma semaphore(%arg16 : memref<!tpu.dma_semaphore, #tpu.memory_space<semaphore_mem>>) src(%arg10 : memref<40x128xf32, #tpu.memory_space<vmem>>) dst(%dma_wait3A_202 : memref<10240x128xf32, #tpu.memory_space<vmem_shared>>)
      %add3A_203 = arith.constant 4 : i32
      %add3A_204 = arith.addi %mul3A_82, %add3A_203 : i32
      %add3A_205 = arith.constant 3 : i32
      %add3A_206 = arith.addi %add3A_204, %add3A_205 : i32
      %lt3A_207 = arith.constant 250 : i32
      %lt3A_208 = arith.cmpi slt, %add3A_206, %lt3A_207 : i32
      %convert_element_type3A_209 = arith.extui %lt3A_208 : i1 to i32
      %cond3A_210 = arith.constant 0 : i32
      %cond3A_211 = arith.cmpi ne, %convert_element_type3A_209, %cond3A_210 : i32
      scf.if %cond3A_211 {
        %add3A_212 = arith.constant 4 : i32
        %add3A_213 = arith.addi %mul3A_82, %add3A_212 : i32
        %add3A_214 = arith.constant 3 : i32
        %add3A_215 = arith.addi %add3A_213, %add3A_214 : i32
        %mul3A_216 = arith.constant 40 : i32
        %mul3A_217 = arith.muli %add3A_215, %mul3A_216 : i32
        %dma_start3A_218 = tpu.memref_slice %arg5[%mul3A_217] : memref<10000xi32, #tpu.memory_space<vmem>> -> memref<40xi32, #tpu.memory_space<vmem>>
        %dma_start3A_219 = arith.constant 0 : i32
        %dma_start3A_220 = arith.constant 0 : i32
        %dma_start3A_221 = tpu.memref_slice %arg3[%dma_start3A_219, %dma_start3A_220] : memref<20000x128xf32, #tpu.memory_space<hbm>> -> memref<20000x128xf32, #tpu.memory_space<hbm>>
        tpu.enqueue_indirect_dma source(%dma_start3A_221 : memref<20000x128xf32, #tpu.memory_space<hbm>>) target(%arg10 : memref<40x128xf32, #tpu.memory_space<vmem>>) offsets(%dma_start3A_218 : memref<40xi32, #tpu.memory_space<vmem>>) semaphore(%arg16 : memref<!tpu.dma_semaphore, #tpu.memory_space<semaphore_mem>>)
      } else {
      }
    }
    %scan3A_41 = arith.constant 62 : i32
    %dma_wait3A = arith.constant 9920 : i32
    %dma_wait3A_42 = tpu.memref_slice %arg5[%dma_wait3A] : memref<10000xi32, #tpu.memory_space<vmem>> -> memref<40xi32, #tpu.memory_space<vmem>>
    %dma_wait3A_43 = arith.constant 0 : i32
    %dma_wait3A_44 = arith.constant 0 : i32
    %dma_wait3A_45 = tpu.memref_slice %arg3[%dma_wait3A_43, %dma_wait3A_44] : memref<20000x128xf32, #tpu.memory_space<hbm>> -> memref<20000x128xf32, #tpu.memory_space<hbm>>
    tpu.wait_indirect_dma semaphore(%arg13 : memref<!tpu.dma_semaphore, #tpu.memory_space<semaphore_mem>>) src(%dma_wait3A_45 : memref<20000x128xf32, #tpu.memory_space<hbm>>) dst(%arg7 : memref<40x128xf32, #tpu.memory_space<vmem>>)
    %dma_start3A_46 = arith.constant 9920 : i32
    %dma_start3A_47 = tpu.memref_slice %arg6[%dma_start3A_46] : memref<10000xi32, #tpu.memory_space<vmem>> -> memref<40xi32, #tpu.memory_space<vmem>>
    %dma_start3A_48 = arith.constant 0 : i32
    %dma_start3A_49 = arith.constant 0 : i32
    %dma_start3A_50 = tpu.memref_slice %arg12[%dma_start3A_48, %dma_start3A_49] : memref<10240x128xf32, #tpu.memory_space<vmem_shared>> -> memref<10240x128xf32, #tpu.memory_space<vmem_shared>>
    tpu.enqueue_indirect_dma source(%arg7 : memref<40x128xf32, #tpu.memory_space<vmem>>) target(%dma_start3A_50 : memref<10240x128xf32, #tpu.memory_space<vmem_shared>>) offsets(%dma_start3A_47 : memref<40xi32, #tpu.memory_space<vmem>>) semaphore(%arg13 : memref<!tpu.dma_semaphore, #tpu.memory_space<semaphore_mem>>) {add = true}
    %dma_wait3A_51 = arith.constant 9960 : i32
    %dma_wait3A_52 = tpu.memref_slice %arg5[%dma_wait3A_51] : memref<10000xi32, #tpu.memory_space<vmem>> -> memref<40xi32, #tpu.memory_space<vmem>>
    %dma_wait3A_53 = arith.constant 0 : i32
    %dma_wait3A_54 = arith.constant 0 : i32
    %dma_wait3A_55 = tpu.memref_slice %arg3[%dma_wait3A_53, %dma_wait3A_54] : memref<20000x128xf32, #tpu.memory_space<hbm>> -> memref<20000x128xf32, #tpu.memory_space<hbm>>
    tpu.wait_indirect_dma semaphore(%arg14 : memref<!tpu.dma_semaphore, #tpu.memory_space<semaphore_mem>>) src(%dma_wait3A_55 : memref<20000x128xf32, #tpu.memory_space<hbm>>) dst(%arg8 : memref<40x128xf32, #tpu.memory_space<vmem>>)
    %dma_start3A_56 = arith.constant 9960 : i32
    %dma_start3A_57 = tpu.memref_slice %arg6[%dma_start3A_56] : memref<10000xi32, #tpu.memory_space<vmem>> -> memref<40xi32, #tpu.memory_space<vmem>>
    %dma_start3A_58 = arith.constant 0 : i32
    %dma_start3A_59 = arith.constant 0 : i32
    %dma_start3A_60 = tpu.memref_slice %arg12[%dma_start3A_58, %dma_start3A_59] : memref<10240x128xf32, #tpu.memory_space<vmem_shared>> -> memref<10240x128xf32, #tpu.memory_space<vmem_shared>>
    tpu.enqueue_indirect_dma source(%arg8 : memref<40x128xf32, #tpu.memory_space<vmem>>) target(%dma_start3A_60 : memref<10240x128xf32, #tpu.memory_space<vmem_shared>>) offsets(%dma_start3A_57 : memref<40xi32, #tpu.memory_space<vmem>>) semaphore(%arg14 : memref<!tpu.dma_semaphore, #tpu.memory_space<semaphore_mem>>) {add = true}
    %dma_wait3A_61 = arith.constant 9920 : i32
    %dma_wait3A_62 = tpu.memref_slice %arg6[%dma_wait3A_61] : memref<10000xi32, #tpu.memory_space<vmem>> -> memref<40xi32, #tpu.memory_space<vmem>>
    %dma_wait3A_63 = arith.constant 0 : i32
    %dma_wait3A_64 = arith.constant 0 : i32
    %dma_wait3A_65 = tpu.memref_slice %arg12[%dma_wait3A_63, %dma_wait3A_64] : memref<10240x128xf32, #tpu.memory_space<vmem_shared>> -> memref<10240x128xf32, #tpu.memory_space<vmem_shared>>
    tpu.wait_indirect_dma semaphore(%arg13 : memref<!tpu.dma_semaphore, #tpu.memory_space<semaphore_mem>>) src(%arg7 : memref<40x128xf32, #tpu.memory_space<vmem>>) dst(%dma_wait3A_65 : memref<10240x128xf32, #tpu.memory_space<vmem_shared>>)
    %dma_wait3A_66 = arith.constant 9960 : i32
    %dma_wait3A_67 = tpu.memref_slice %arg6[%dma_wait3A_66] : memref<10000xi32, #tpu.memory_space<vmem>> -> memref<40xi32, #tpu.memory_space<vmem>>
    %dma_wait3A_68 = arith.constant 0 : i32
    %dma_wait3A_69 = arith.constant 0 : i32
    %dma_wait3A_70 = tpu.memref_slice %arg12[%dma_wait3A_68, %dma_wait3A_69] : memref<10240x128xf32, #tpu.memory_space<vmem_shared>> -> memref<10240x128xf32, #tpu.memory_space<vmem_shared>>
    tpu.wait_indirect_dma semaphore(%arg14 : memref<!tpu.dma_semaphore, #tpu.memory_space<semaphore_mem>>) src(%arg8 : memref<40x128xf32, #tpu.memory_space<vmem>>) dst(%dma_wait3A_70 : memref<10240x128xf32, #tpu.memory_space<vmem_shared>>)
    %barrier3A_71 = arith.constant 0 : index
    tpu.barrier barrier_id(%barrier3A_71)
    %mul3A_72 = arith.constant 640 : i32
    %mul3A_73 = arith.muli %arg1, %mul3A_72 : i32
    %mul3A_74 = arith.constant 640 : i32
    %mul3A_75 = arith.muli %arg1, %mul3A_74 : i32
    "tpu.region"() ({
      %run_scoped3A = tpu.sem_alloc : memref<!tpu.dma_semaphore, #tpu.memory_space<semaphore_mem>>
      %dma_start3A_76 = arith.constant 0 : i32
      %dma_start3A_77 = tpu.memref_slice %arg4[%arg0, %mul3A_75, %dma_start3A_76] : memref<2x10240x128xf32, #tpu.memory_space<hbm>> -> memref<1x640x128xf32, #tpu.memory_space<hbm>>
      %dma_start3A_78 = tpu.memref_squeeze %dma_start3A_77 : memref<1x640x128xf32, #tpu.memory_space<hbm>> -> memref<640x128xf32, #tpu.memory_space<hbm>>
      %dma_start3A_79 = arith.constant 0 : i32
      %dma_start3A_80 = tpu.memref_slice %arg12[%mul3A_73, %dma_start3A_79] : memref<10240x128xf32, #tpu.memory_space<vmem_shared>> -> memref<640x128xf32, #tpu.memory_space<vmem_shared>>
      tpu.enqueue_dma source(%dma_start3A_80 : memref<640x128xf32, #tpu.memory_space<vmem_shared>>) target(%dma_start3A_78 : memref<640x128xf32, #tpu.memory_space<hbm>>) target_semaphore(%run_scoped3A : memref<!tpu.dma_semaphore, #tpu.memory_space<semaphore_mem>>)
      %dma_wait3A_81 = arith.constant 0 : i32
      %dma_wait3A_82 = tpu.memref_slice %arg4[%arg0, %mul3A_75, %dma_wait3A_81] : memref<2x10240x128xf32, #tpu.memory_space<hbm>> -> memref<1x640x128xf32, #tpu.memory_space<hbm>>
      %dma_wait3A_83 = tpu.memref_squeeze %dma_wait3A_82 : memref<1x640x128xf32, #tpu.memory_space<hbm>> -> memref<640x128xf32, #tpu.memory_space<hbm>>
      %dma_wait3A_84 = arith.constant 0 : i32
      %dma_wait3A_85 = tpu.memref_slice %arg12[%mul3A_73, %dma_wait3A_84] : memref<10240x128xf32, #tpu.memory_space<vmem_shared>> -> memref<640x128xf32, #tpu.memory_space<vmem_shared>>
      tpu.wait_dma2 semaphore(%run_scoped3A : memref<!tpu.dma_semaphore, #tpu.memory_space<semaphore_mem>>) src(%dma_wait3A_85 : memref<640x128xf32, #tpu.memory_space<vmem_shared>>) dst(%dma_wait3A_83 : memref<640x128xf32, #tpu.memory_space<hbm>>)
      tpu.yield
    }) : () -> ()
    return
  }
}

#map = affine_map<(d0, d1) -> (0)>
#map1 = affine_map<(d0, d1) -> (0, 0)>
#map2 = affine_map<(d0, d1) -> (0, 0, 0)>
module attributes {stable_mosaic.version = 14 : i64} {
  func.func @_agg_body(%arg0: i32, %arg1: i32, %arg2: memref<320000xi32, #tpu.memory_space<hbm>>, %arg3: memref<20000x128xf32, #tpu.memory_space<hbm>>, %arg4: memref<2x10240x128xf32, #tpu.memory_space<hbm>>, %arg5: memref<10000xi32, #tpu.memory_space<vmem>>, %arg6: memref<10000xi32, #tpu.memory_space<vmem>>, %arg7: memref<40x128xf32, #tpu.memory_space<vmem>>, %arg8: memref<40x128xf32, #tpu.memory_space<vmem>>, %arg9: memref<40x128xf32, #tpu.memory_space<vmem>>, %arg10: memref<40x128xf32, #tpu.memory_space<vmem>>, %arg11: memref<8x128xf32, #tpu.memory_space<vmem>>, %arg12: memref<10240x128xf32, #tpu.memory_space<vmem_shared>>, %arg13: memref<!tpu.dma_semaphore, #tpu.memory_space<semaphore_mem>>, %arg14: memref<!tpu.dma_semaphore, #tpu.memory_space<semaphore_mem>>, %arg15: memref<!tpu.dma_semaphore, #tpu.memory_space<semaphore_mem>>, %arg16: memref<!tpu.dma_semaphore, #tpu.memory_space<semaphore_mem>>) attributes {dimension_semantics = [#tpu.dimension_semantics<core_parallel>, #tpu.dimension_semantics<subcore_parallel>], iteration_bounds = array<i64: 2, 16>, scalar_prefetch = 0 : i64, scratch_operands = 12 : i64, tpu.core_type = #tpu.core_type<sc_vector_subcore>, window_params = [{transform_indices = #map}, {transform_indices = #map1}, {transform_indices = #map2}]} {
    %mul3A = arith.constant 10000 : i32
    %mul3A_0 = arith.muli %arg1, %mul3A : i32
    "tpu.region"() ({
      %run_scoped3A = tpu.sem_alloc : memref<!tpu.dma_semaphore, #tpu.memory_space<semaphore_mem>>
      %dma_start3A_76 = tpu.memref_slice %arg2[%mul3A_0] : memref<320000xi32, #tpu.memory_space<hbm>> -> memref<10000xi32, #tpu.memory_space<hbm>>
      %dma_start3A_77 = tpu.memref_slice %arg2[%mul3A_0] : memref<320000xi32, #tpu.memory_space<hbm>> -> memref<10000xi32, #tpu.memory_space<hbm>>
      tpu.enqueue_dma source(%dma_start3A_77 : memref<10000xi32, #tpu.memory_space<hbm>>) target(%arg5 : memref<10000xi32, #tpu.memory_space<vmem>>) target_semaphore(%run_scoped3A : memref<!tpu.dma_semaphore, #tpu.memory_space<semaphore_mem>>)
      %dma_wait3A_78 = tpu.memref_slice %arg2[%mul3A_0] : memref<320000xi32, #tpu.memory_space<hbm>> -> memref<10000xi32, #tpu.memory_space<hbm>>
      %dma_wait3A_79 = tpu.memref_slice %arg2[%mul3A_0] : memref<320000xi32, #tpu.memory_space<hbm>> -> memref<10000xi32, #tpu.memory_space<hbm>>
      tpu.wait_dma2 semaphore(%run_scoped3A : memref<!tpu.dma_semaphore, #tpu.memory_space<semaphore_mem>>) src(%dma_wait3A_79 : memref<10000xi32, #tpu.memory_space<hbm>>) dst(%arg5 : memref<10000xi32, #tpu.memory_space<vmem>>)
      tpu.yield
    }) : () -> ()
    %scan3A = arith.constant 0 : i32
    %scan3A_1 = arith.constant 625 : i32
    %scan3A_2 = arith.addi %scan3A, %scan3A_1 : i32
    %scan3A_3 = arith.constant 1 : i32
    scf.for %scan3A_76 = %scan3A to %scan3A_2 step %scan3A_3  : i32 {
      %mul3A_77 = arith.constant 1 : i32
      %mul3A_78 = arith.muli %scan3A_76, %mul3A_77 : i32
      %add3A_79 = arith.constant 0 : i32
      %add3A_80 = arith.addi %add3A_79, %mul3A_78 : i32
      %mul3A_81 = arith.constant 16 : i32
      %mul3A_82 = arith.muli %add3A_80, %mul3A_81 : i32
      %get3A = arith.index_cast %mul3A_82 : i32 to index
      %get3A_83 = tpu.vector_load %arg5[%get3A] {strides = array<i32>} : memref<10000xi32, #tpu.memory_space<vmem>>, vector<16xi32>,
      %add3A_84 = arith.addi %get3A_83, %get3A_83 : vector<16xi32>
      %add3A_85 = vector.broadcast %arg0 : i32 to vector<16xi32>
      %add3A_86 = arith.addi %add3A_84, %add3A_85 : vector<16xi32>
      %mul3A_87 = arith.constant 16 : i32
      %mul3A_88 = arith.muli %add3A_80, %mul3A_87 : i32
      %swap3A = arith.index_cast %mul3A_88 : i32 to index
      %swap3A_89 = tpu.vector_load %arg5[%swap3A] {strides = array<i32>} : memref<10000xi32, #tpu.memory_space<vmem>>, vector<16xi32>,
      tpu.vector_store %arg5[%swap3A], %add3A_86 {strides = array<i32>} : memref<10000xi32, #tpu.memory_space<vmem>>, vector<16xi32>,
    }
    %scan3A_4 = arith.constant 625 : i32
    %scan3A_5 = arith.constant 0 : i32
    %scan3A_6 = arith.constant 8 : i32
    %scan3A_7 = arith.addi %scan3A_5, %scan3A_6 : i32
    %scan3A_8 = arith.constant 1 : i32
    scf.for %scan3A_76 = %scan3A_5 to %scan3A_7 step %scan3A_8  : i32 {
      %mul3A_77 = arith.constant 1 : i32
      %mul3A_78 = arith.muli %scan3A_76, %mul3A_77 : i32
      %add3A_79 = arith.constant 0 : i32
      %add3A_80 = arith.addi %add3A_79, %mul3A_78 : i32
      %broadcast_in_dim3A = arith.constant 0.000000e+00 : f32
      %broadcast_in_dim3A_81 = vector.broadcast %broadcast_in_dim3A : f32 to vector<16xf32>
      %swap3A = arith.index_cast %add3A_80 : i32 to index
      %swap3A_82 = arith.constant 0 : index
      %swap3A_83 = tpu.vector_load %arg11[%swap3A, %swap3A_82] {strides = array<i32>} : memref<8x128xf32, #tpu.memory_space<vmem>>, vector<16xf32>,
      tpu.vector_store %arg11[%swap3A, %swap3A_82], %broadcast_in_dim3A_81 {strides = array<i32>} : memref<8x128xf32, #tpu.memory_space<vmem>>, vector<16xf32>,
      %broadcast_in_dim3A_84 = arith.constant 0.000000e+00 : f32
      %broadcast_in_dim3A_85 = vector.broadcast %broadcast_in_dim3A_84 : f32 to vector<16xf32>
      %swap3A_86 = arith.index_cast %add3A_80 : i32 to index
      %swap3A_87 = arith.constant 16 : index
      %swap3A_88 = tpu.vector_load %arg11[%swap3A_86, %swap3A_87] {strides = array<i32>} : memref<8x128xf32, #tpu.memory_space<vmem>>, vector<16xf32>,
      tpu.vector_store %arg11[%swap3A_86, %swap3A_87], %broadcast_in_dim3A_85 {strides = array<i32>} : memref<8x128xf32, #tpu.memory_space<vmem>>, vector<16xf32>,
      %broadcast_in_dim3A_89 = arith.constant 0.000000e+00 : f32
      %broadcast_in_dim3A_90 = vector.broadcast %broadcast_in_dim3A_89 : f32 to vector<16xf32>
      %swap3A_91 = arith.index_cast %add3A_80 : i32 to index
      %swap3A_92 = arith.constant 32 : index
      %swap3A_93 = tpu.vector_load %arg11[%swap3A_91, %swap3A_92] {strides = array<i32>} : memref<8x128xf32, #tpu.memory_space<vmem>>, vector<16xf32>,
      tpu.vector_store %arg11[%swap3A_91, %swap3A_92], %broadcast_in_dim3A_90 {strides = array<i32>} : memref<8x128xf32, #tpu.memory_space<vmem>>, vector<16xf32>,
      %broadcast_in_dim3A_94 = arith.constant 0.000000e+00 : f32
      %broadcast_in_dim3A_95 = vector.broadcast %broadcast_in_dim3A_94 : f32 to vector<16xf32>
      %swap3A_96 = arith.index_cast %add3A_80 : i32 to index
      %swap3A_97 = arith.constant 48 : index
      %swap3A_98 = tpu.vector_load %arg11[%swap3A_96, %swap3A_97] {strides = array<i32>} : memref<8x128xf32, #tpu.memory_space<vmem>>, vector<16xf32>,
      tpu.vector_store %arg11[%swap3A_96, %swap3A_97], %broadcast_in_dim3A_95 {strides = array<i32>} : memref<8x128xf32, #tpu.memory_space<vmem>>, vector<16xf32>,
      %broadcast_in_dim3A_99 = arith.constant 0.000000e+00 : f32
      %broadcast_in_dim3A_100 = vector.broadcast %broadcast_in_dim3A_99 : f32 to vector<16xf32>
      %swap3A_101 = arith.index_cast %add3A_80 : i32 to index
      %swap3A_102 = arith.constant 64 : index
      %swap3A_103 = tpu.vector_load %arg11[%swap3A_101, %swap3A_102] {strides = array<i32>} : memref<8x128xf32, #tpu.memory_space<vmem>>, vector<16xf32>,
      tpu.vector_store %arg11[%swap3A_101, %swap3A_102], %broadcast_in_dim3A_100 {strides = array<i32>} : memref<8x128xf32, #tpu.memory_space<vmem>>, vector<16xf32>,
      %broadcast_in_dim3A_104 = arith.constant 0.000000e+00 : f32
      %broadcast_in_dim3A_105 = vector.broadcast %broadcast_in_dim3A_104 : f32 to vector<16xf32>
      %swap3A_106 = arith.index_cast %add3A_80 : i32 to index
      %swap3A_107 = arith.constant 80 : index
      %swap3A_108 = tpu.vector_load %arg11[%swap3A_106, %swap3A_107] {strides = array<i32>} : memref<8x128xf32, #tpu.memory_space<vmem>>, vector<16xf32>,
      tpu.vector_store %arg11[%swap3A_106, %swap3A_107], %broadcast_in_dim3A_105 {strides = array<i32>} : memref<8x128xf32, #tpu.memory_space<vmem>>, vector<16xf32>,
      %broadcast_in_dim3A_109 = arith.constant 0.000000e+00 : f32
      %broadcast_in_dim3A_110 = vector.broadcast %broadcast_in_dim3A_109 : f32 to vector<16xf32>
      %swap3A_111 = arith.index_cast %add3A_80 : i32 to index
      %swap3A_112 = arith.constant 96 : index
      %swap3A_113 = tpu.vector_load %arg11[%swap3A_111, %swap3A_112] {strides = array<i32>} : memref<8x128xf32, #tpu.memory_space<vmem>>, vector<16xf32>,
      tpu.vector_store %arg11[%swap3A_111, %swap3A_112], %broadcast_in_dim3A_110 {strides = array<i32>} : memref<8x128xf32, #tpu.memory_space<vmem>>, vector<16xf32>,
      %broadcast_in_dim3A_114 = arith.constant 0.000000e+00 : f32
      %broadcast_in_dim3A_115 = vector.broadcast %broadcast_in_dim3A_114 : f32 to vector<16xf32>
      %swap3A_116 = arith.index_cast %add3A_80 : i32 to index
      %swap3A_117 = arith.constant 112 : index
      %swap3A_118 = tpu.vector_load %arg11[%swap3A_116, %swap3A_117] {strides = array<i32>} : memref<8x128xf32, #tpu.memory_space<vmem>>, vector<16xf32>,
      tpu.vector_store %arg11[%swap3A_116, %swap3A_117], %broadcast_in_dim3A_115 {strides = array<i32>} : memref<8x128xf32, #tpu.memory_space<vmem>>, vector<16xf32>,
    }
    %scan3A_9 = arith.constant 8 : i32
    %scan3A_10 = arith.constant 0 : i32
    %scan3A_11 = arith.constant 80 : i32
    %scan3A_12 = arith.addi %scan3A_10, %scan3A_11 : i32
    %scan3A_13 = arith.constant 1 : i32
    scf.for %scan3A_76 = %scan3A_10 to %scan3A_12 step %scan3A_13  : i32 {
      %mul3A_77 = arith.constant 1 : i32
      %mul3A_78 = arith.muli %scan3A_76, %mul3A_77 : i32
      %add3A_79 = arith.constant 0 : i32
      %add3A_80 = arith.addi %add3A_79, %mul3A_78 : i32
      %mul3A_81 = arith.constant 640 : i32
      %mul3A_82 = arith.muli %arg1, %mul3A_81 : i32
      %mul3A_83 = arith.constant 8 : i32
      %mul3A_84 = arith.muli %add3A_80, %mul3A_83 : i32
      %add3A_85 = arith.addi %mul3A_82, %mul3A_84 : i32
      "tpu.region"() ({
        %run_scoped3A = tpu.sem_alloc : memref<!tpu.dma_semaphore, #tpu.memory_space<semaphore_mem>>
        %dma_start3A_86 = arith.constant 0 : i32
        %dma_start3A_87 = tpu.memref_slice %arg12[%add3A_85, %dma_start3A_86] : memref<10240x128xf32, #tpu.memory_space<vmem_shared>> -> memref<8x128xf32, #tpu.memory_space<vmem_shared>>
        %dma_start3A_88 = arith.constant 0 : i32
        %dma_start3A_89 = tpu.memref_slice %arg12[%add3A_85, %dma_start3A_88] : memref<10240x128xf32, #tpu.memory_space<vmem_shared>> -> memref<8x128xf32, #tpu.memory_space<vmem_shared>>
        tpu.enqueue_dma source(%arg11 : memref<8x128xf32, #tpu.memory_space<vmem>>) target(%dma_start3A_89 : memref<8x128xf32, #tpu.memory_space<vmem_shared>>) target_semaphore(%run_scoped3A : memref<!tpu.dma_semaphore, #tpu.memory_space<semaphore_mem>>)
        %dma_wait3A_90 = arith.constant 0 : i32
        %dma_wait3A_91 = tpu.memref_slice %arg12[%add3A_85, %dma_wait3A_90] : memref<10240x128xf32, #tpu.memory_space<vmem_shared>> -> memref<8x128xf32, #tpu.memory_space<vmem_shared>>
        %dma_wait3A_92 = arith.constant 0 : i32
        %dma_wait3A_93 = tpu.memref_slice %arg12[%add3A_85, %dma_wait3A_92] : memref<10240x128xf32, #tpu.memory_space<vmem_shared>> -> memref<8x128xf32, #tpu.memory_space<vmem_shared>>
        tpu.wait_dma2 semaphore(%run_scoped3A : memref<!tpu.dma_semaphore, #tpu.memory_space<semaphore_mem>>) src(%arg11 : memref<8x128xf32, #tpu.memory_space<vmem>>) dst(%dma_wait3A_93 : memref<8x128xf32, #tpu.memory_space<vmem_shared>>)
        tpu.yield
      }) : () -> ()
    }
    %scan3A_14 = arith.constant 80 : i32
    %mul3A_15 = arith.constant 10000 : i32
    %mul3A_16 = arith.muli %arg1, %mul3A_15 : i32
    %add3A = arith.constant 160000 : i32
    %add3A_17 = arith.addi %add3A, %mul3A_16 : i32
    "tpu.region"() ({
      %run_scoped3A = tpu.sem_alloc : memref<!tpu.dma_semaphore, #tpu.memory_space<semaphore_mem>>
      %dma_start3A_76 = tpu.memref_slice %arg2[%add3A_17] : memref<320000xi32, #tpu.memory_space<hbm>> -> memref<10000xi32, #tpu.memory_space<hbm>>
      %dma_start3A_77 = tpu.memref_slice %arg2[%add3A_17] : memref<320000xi32, #tpu.memory_space<hbm>> -> memref<10000xi32, #tpu.memory_space<hbm>>
      tpu.enqueue_dma source(%dma_start3A_77 : memref<10000xi32, #tpu.memory_space<hbm>>) target(%arg6 : memref<10000xi32, #tpu.memory_space<vmem>>) target_semaphore(%run_scoped3A : memref<!tpu.dma_semaphore, #tpu.memory_space<semaphore_mem>>)
      %dma_wait3A_78 = tpu.memref_slice %arg2[%add3A_17] : memref<320000xi32, #tpu.memory_space<hbm>> -> memref<10000xi32, #tpu.memory_space<hbm>>
      %dma_wait3A_79 = tpu.memref_slice %arg2[%add3A_17] : memref<320000xi32, #tpu.memory_space<hbm>> -> memref<10000xi32, #tpu.memory_space<hbm>>
      tpu.wait_dma2 semaphore(%run_scoped3A : memref<!tpu.dma_semaphore, #tpu.memory_space<semaphore_mem>>) src(%dma_wait3A_79 : memref<10000xi32, #tpu.memory_space<hbm>>) dst(%arg6 : memref<10000xi32, #tpu.memory_space<vmem>>)
      tpu.yield
    }) : () -> ()
    %barrier3A = arith.constant 0 : index
    tpu.barrier barrier_id(%barrier3A)
    %dma_start3A = arith.constant 0 : i32
    %dma_start3A_18 = tpu.memref_slice %arg5[%dma_start3A] : memref<10000xi32, #tpu.memory_space<vmem>> -> memref<40xi32, #tpu.memory_space<vmem>>
    %dma_start3A_19 = arith.constant 0 : i32
    %dma_start3A_20 = arith.constant 0 : i32
    %dma_start3A_21 = tpu.memref_slice %arg3[%dma_start3A_19, %dma_start3A_20] : memref<20000x128xf32, #tpu.memory_space<hbm>> -> memref<20000x128xf32, #tpu.memory_space<hbm>>
    tpu.enqueue_indirect_dma source(%dma_start3A_21 : memref<20000x128xf32, #tpu.memory_space<hbm>>) target(%arg7 : memref<40x128xf32, #tpu.memory_space<vmem>>) offsets(%dma_start3A_18 : memref<40xi32, #tpu.memory_space<vmem>>) semaphore(%arg13 : memref<!tpu.dma_semaphore, #tpu.memory_space<semaphore_mem>>)
    %dma_start3A_22 = arith.constant 40 : i32
    %dma_start3A_23 = tpu.memref_slice %arg5[%dma_start3A_22] : memref<10000xi32, #tpu.memory_space<vmem>> -> memref<40xi32, #tpu.memory_space<vmem>>
    %dma_start3A_24 = arith.constant 0 : i32
    %dma_start3A_25 = arith.constant 0 : i32
    %dma_start3A_26 = tpu.memref_slice %arg3[%dma_start3A_24, %dma_start3A_25] : memref<20000x128xf32, #tpu.memory_space<hbm>> -> memref<20000x128xf32, #tpu.memory_space<hbm>>
    tpu.enqueue_indirect_dma source(%dma_start3A_26 : memref<20000x128xf32, #tpu.memory_space<hbm>>) target(%arg8 : memref<40x128xf32, #tpu.memory_space<vmem>>) offsets(%dma_start3A_23 : memref<40xi32, #tpu.memory_space<vmem>>) semaphore(%arg14 : memref<!tpu.dma_semaphore, #tpu.memory_space<semaphore_mem>>)
    %dma_start3A_27 = arith.constant 80 : i32
    %dma_start3A_28 = tpu.memref_slice %arg5[%dma_start3A_27] : memref<10000xi32, #tpu.memory_space<vmem>> -> memref<40xi32, #tpu.memory_space<vmem>>
    %dma_start3A_29 = arith.constant 0 : i32
    %dma_start3A_30 = arith.constant 0 : i32
    %dma_start3A_31 = tpu.memref_slice %arg3[%dma_start3A_29, %dma_start3A_30] : memref<20000x128xf32, #tpu.memory_space<hbm>> -> memref<20000x128xf32, #tpu.memory_space<hbm>>
    tpu.enqueue_indirect_dma source(%dma_start3A_31 : memref<20000x128xf32, #tpu.memory_space<hbm>>) target(%arg9 : memref<40x128xf32, #tpu.memory_space<vmem>>) offsets(%dma_start3A_28 : memref<40xi32, #tpu.memory_space<vmem>>) semaphore(%arg15 : memref<!tpu.dma_semaphore, #tpu.memory_space<semaphore_mem>>)
    %dma_start3A_32 = arith.constant 120 : i32
    %dma_start3A_33 = tpu.memref_slice %arg5[%dma_start3A_32] : memref<10000xi32, #tpu.memory_space<vmem>> -> memref<40xi32, #tpu.memory_space<vmem>>
    %dma_start3A_34 = arith.constant 0 : i32
    %dma_start3A_35 = arith.constant 0 : i32
    %dma_start3A_36 = tpu.memref_slice %arg3[%dma_start3A_34, %dma_start3A_35] : memref<20000x128xf32, #tpu.memory_space<hbm>> -> memref<20000x128xf32, #tpu.memory_space<hbm>>
    tpu.enqueue_indirect_dma source(%dma_start3A_36 : memref<20000x128xf32, #tpu.memory_space<hbm>>) target(%arg10 : memref<40x128xf32, #tpu.memory_space<vmem>>) offsets(%dma_start3A_33 : memref<40xi32, #tpu.memory_space<vmem>>) semaphore(%arg16 : memref<!tpu.dma_semaphore, #tpu.memory_space<semaphore_mem>>)
    %scan3A_37 = arith.constant 0 : i32
    %scan3A_38 = arith.constant 62 : i32
    %scan3A_39 = arith.addi %scan3A_37, %scan3A_38 : i32
    %scan3A_40 = arith.constant 1 : i32
    scf.for %scan3A_76 = %scan3A_37 to %scan3A_39 step %scan3A_40  : i32 {
      %mul3A_77 = arith.constant 1 : i32
      %mul3A_78 = arith.muli %scan3A_76, %mul3A_77 : i32
      %add3A_79 = arith.constant 0 : i32
      %add3A_80 = arith.addi %add3A_79, %mul3A_78 : i32
      %mul3A_81 = arith.constant 4 : i32
      %mul3A_82 = arith.muli %add3A_80, %mul3A_81 : i32
      %add3A_83 = arith.constant 0 : i32
      %add3A_84 = arith.addi %mul3A_82, %add3A_83 : i32
      %mul3A_85 = arith.constant 40 : i32
      %mul3A_86 = arith.muli %add3A_84, %mul3A_85 : i32
      %dma_wait3A_87 = tpu.memref_slice %arg5[%mul3A_86] : memref<10000xi32, #tpu.memory_space<vmem>> -> memref<40xi32, #tpu.memory_space<vmem>>
      %dma_wait3A_88 = arith.constant 0 : i32
      %dma_wait3A_89 = arith.constant 0 : i32
      %dma_wait3A_90 = tpu.memref_slice %arg3[%dma_wait3A_88, %dma_wait3A_89] : memref<20000x128xf32, #tpu.memory_space<hbm>> -> memref<20000x128xf32, #tpu.memory_space<hbm>>
      tpu.wait_indirect_dma semaphore(%arg13 : memref<!tpu.dma_semaphore, #tpu.memory_space<semaphore_mem>>) src(%dma_wait3A_90 : memref<20000x128xf32, #tpu.memory_space<hbm>>) dst(%arg7 : memref<40x128xf32, #tpu.memory_space<vmem>>)
      %add3A_91 = arith.constant 0 : i32
      %add3A_92 = arith.addi %mul3A_82, %add3A_91 : i32
      %mul3A_93 = arith.constant 40 : i32
      %mul3A_94 = arith.muli %add3A_92, %mul3A_93 : i32
      %dma_start3A_95 = tpu.memref_slice %arg6[%mul3A_94] : memref<10000xi32, #tpu.memory_space<vmem>> -> memref<40xi32, #tpu.memory_space<vmem>>
      %dma_start3A_96 = arith.constant 0 : i32
      %dma_start3A_97 = arith.constant 0 : i32
      %dma_start3A_98 = tpu.memref_slice %arg12[%dma_start3A_96, %dma_start3A_97] : memref<10240x128xf32, #tpu.memory_space<vmem_shared>> -> memref<10240x128xf32, #tpu.memory_space<vmem_shared>>
      tpu.enqueue_indirect_dma source(%arg7 : memref<40x128xf32, #tpu.memory_space<vmem>>) target(%dma_start3A_98 : memref<10240x128xf32, #tpu.memory_space<vmem_shared>>) offsets(%dma_start3A_95 : memref<40xi32, #tpu.memory_space<vmem>>) semaphore(%arg13 : memref<!tpu.dma_semaphore, #tpu.memory_space<semaphore_mem>>) {add = true}
      %add3A_99 = arith.constant 1 : i32
      %add3A_100 = arith.addi %mul3A_82, %add3A_99 : i32
      %mul3A_101 = arith.constant 40 : i32
      %mul3A_102 = arith.muli %add3A_100, %mul3A_101 : i32
      %dma_wait3A_103 = tpu.memref_slice %arg5[%mul3A_102] : memref<10000xi32, #tpu.memory_space<vmem>> -> memref<40xi32, #tpu.memory_space<vmem>>
      %dma_wait3A_104 = arith.constant 0 : i32
      %dma_wait3A_105 = arith.constant 0 : i32
      %dma_wait3A_106 = tpu.memref_slice %arg3[%dma_wait3A_104, %dma_wait3A_105] : memref<20000x128xf32, #tpu.memory_space<hbm>> -> memref<20000x128xf32, #tpu.memory_space<hbm>>
      tpu.wait_indirect_dma semaphore(%arg14 : memref<!tpu.dma_semaphore, #tpu.memory_space<semaphore_mem>>) src(%dma_wait3A_106 : memref<20000x128xf32, #tpu.memory_space<hbm>>) dst(%arg8 : memref<40x128xf32, #tpu.memory_space<vmem>>)
      %add3A_107 = arith.constant 1 : i32
      %add3A_108 = arith.addi %mul3A_82, %add3A_107 : i32
      %mul3A_109 = arith.constant 40 : i32
      %mul3A_110 = arith.muli %add3A_108, %mul3A_109 : i32
      %dma_start3A_111 = tpu.memref_slice %arg6[%mul3A_110] : memref<10000xi32, #tpu.memory_space<vmem>> -> memref<40xi32, #tpu.memory_space<vmem>>
      %dma_start3A_112 = arith.constant 0 : i32
      %dma_start3A_113 = arith.constant 0 : i32
      %dma_start3A_114 = tpu.memref_slice %arg12[%dma_start3A_112, %dma_start3A_113] : memref<10240x128xf32, #tpu.memory_space<vmem_shared>> -> memref<10240x128xf32, #tpu.memory_space<vmem_shared>>
      tpu.enqueue_indirect_dma source(%arg8 : memref<40x128xf32, #tpu.memory_space<vmem>>) target(%dma_start3A_114 : memref<10240x128xf32, #tpu.memory_space<vmem_shared>>) offsets(%dma_start3A_111 : memref<40xi32, #tpu.memory_space<vmem>>) semaphore(%arg14 : memref<!tpu.dma_semaphore, #tpu.memory_space<semaphore_mem>>) {add = true}
      %add3A_115 = arith.constant 2 : i32
      %add3A_116 = arith.addi %mul3A_82, %add3A_115 : i32
      %mul3A_117 = arith.constant 40 : i32
      %mul3A_118 = arith.muli %add3A_116, %mul3A_117 : i32
      %dma_wait3A_119 = tpu.memref_slice %arg5[%mul3A_118] : memref<10000xi32, #tpu.memory_space<vmem>> -> memref<40xi32, #tpu.memory_space<vmem>>
      %dma_wait3A_120 = arith.constant 0 : i32
      %dma_wait3A_121 = arith.constant 0 : i32
      %dma_wait3A_122 = tpu.memref_slice %arg3[%dma_wait3A_120, %dma_wait3A_121] : memref<20000x128xf32, #tpu.memory_space<hbm>> -> memref<20000x128xf32, #tpu.memory_space<hbm>>
      tpu.wait_indirect_dma semaphore(%arg15 : memref<!tpu.dma_semaphore, #tpu.memory_space<semaphore_mem>>) src(%dma_wait3A_122 : memref<20000x128xf32, #tpu.memory_space<hbm>>) dst(%arg9 : memref<40x128xf32, #tpu.memory_space<vmem>>)
      %add3A_123 = arith.constant 2 : i32
      %add3A_124 = arith.addi %mul3A_82, %add3A_123 : i32
      %mul3A_125 = arith.constant 40 : i32
      %mul3A_126 = arith.muli %add3A_124, %mul3A_125 : i32
      %dma_start3A_127 = tpu.memref_slice %arg6[%mul3A_126] : memref<10000xi32, #tpu.memory_space<vmem>> -> memref<40xi32, #tpu.memory_space<vmem>>
      %dma_start3A_128 = arith.constant 0 : i32
      %dma_start3A_129 = arith.constant 0 : i32
      %dma_start3A_130 = tpu.memref_slice %arg12[%dma_start3A_128, %dma_start3A_129] : memref<10240x128xf32, #tpu.memory_space<vmem_shared>> -> memref<10240x128xf32, #tpu.memory_space<vmem_shared>>
      tpu.enqueue_indirect_dma source(%arg9 : memref<40x128xf32, #tpu.memory_space<vmem>>) target(%dma_start3A_130 : memref<10240x128xf32, #tpu.memory_space<vmem_shared>>) offsets(%dma_start3A_127 : memref<40xi32, #tpu.memory_space<vmem>>) semaphore(%arg15 : memref<!tpu.dma_semaphore, #tpu.memory_space<semaphore_mem>>) {add = true}
      %add3A_131 = arith.constant 3 : i32
      %add3A_132 = arith.addi %mul3A_82, %add3A_131 : i32
      %mul3A_133 = arith.constant 40 : i32
      %mul3A_134 = arith.muli %add3A_132, %mul3A_133 : i32
      %dma_wait3A_135 = tpu.memref_slice %arg5[%mul3A_134] : memref<10000xi32, #tpu.memory_space<vmem>> -> memref<40xi32, #tpu.memory_space<vmem>>
      %dma_wait3A_136 = arith.constant 0 : i32
      %dma_wait3A_137 = arith.constant 0 : i32
      %dma_wait3A_138 = tpu.memref_slice %arg3[%dma_wait3A_136, %dma_wait3A_137] : memref<20000x128xf32, #tpu.memory_space<hbm>> -> memref<20000x128xf32, #tpu.memory_space<hbm>>
      tpu.wait_indirect_dma semaphore(%arg16 : memref<!tpu.dma_semaphore, #tpu.memory_space<semaphore_mem>>) src(%dma_wait3A_138 : memref<20000x128xf32, #tpu.memory_space<hbm>>) dst(%arg10 : memref<40x128xf32, #tpu.memory_space<vmem>>)
      %add3A_139 = arith.constant 3 : i32
      %add3A_140 = arith.addi %mul3A_82, %add3A_139 : i32
      %mul3A_141 = arith.constant 40 : i32
      %mul3A_142 = arith.muli %add3A_140, %mul3A_141 : i32
      %dma_start3A_143 = tpu.memref_slice %arg6[%mul3A_142] : memref<10000xi32, #tpu.memory_space<vmem>> -> memref<40xi32, #tpu.memory_space<vmem>>
      %dma_start3A_144 = arith.constant 0 : i32
      %dma_start3A_145 = arith.constant 0 : i32
      %dma_start3A_146 = tpu.memref_slice %arg12[%dma_start3A_144, %dma_start3A_145] : memref<10240x128xf32, #tpu.memory_space<vmem_shared>> -> memref<10240x128xf32, #tpu.memory_space<vmem_shared>>
      tpu.enqueue_indirect_dma source(%arg10 : memref<40x128xf32, #tpu.memory_space<vmem>>) target(%dma_start3A_146 : memref<10240x128xf32, #tpu.memory_space<vmem_shared>>) offsets(%dma_start3A_143 : memref<40xi32, #tpu.memory_space<vmem>>) semaphore(%arg16 : memref<!tpu.dma_semaphore, #tpu.memory_space<semaphore_mem>>) {add = true}
      %add3A_147 = arith.constant 0 : i32
      %add3A_148 = arith.addi %mul3A_82, %add3A_147 : i32
      %mul3A_149 = arith.constant 40 : i32
      %mul3A_150 = arith.muli %add3A_148, %mul3A_149 : i32
      %dma_wait3A_151 = tpu.memref_slice %arg6[%mul3A_150] : memref<10000xi32, #tpu.memory_space<vmem>> -> memref<40xi32, #tpu.memory_space<vmem>>
      %dma_wait3A_152 = arith.constant 0 : i32
      %dma_wait3A_153 = arith.constant 0 : i32
      %dma_wait3A_154 = tpu.memref_slice %arg12[%dma_wait3A_152, %dma_wait3A_153] : memref<10240x128xf32, #tpu.memory_space<vmem_shared>> -> memref<10240x128xf32, #tpu.memory_space<vmem_shared>>
      tpu.wait_indirect_dma semaphore(%arg13 : memref<!tpu.dma_semaphore, #tpu.memory_space<semaphore_mem>>) src(%arg7 : memref<40x128xf32, #tpu.memory_space<vmem>>) dst(%dma_wait3A_154 : memref<10240x128xf32, #tpu.memory_space<vmem_shared>>)
      %add3A_155 = arith.constant 4 : i32
      %add3A_156 = arith.addi %mul3A_82, %add3A_155 : i32
      %add3A_157 = arith.constant 0 : i32
      %add3A_158 = arith.addi %add3A_156, %add3A_157 : i32
      %lt3A = arith.constant 250 : i32
      %lt3A_159 = arith.cmpi slt, %add3A_158, %lt3A : i32
      %convert_element_type3A = arith.extui %lt3A_159 : i1 to i32
      %cond3A = arith.constant 0 : i32
      %cond3A_160 = arith.cmpi ne, %convert_element_type3A, %cond3A : i32
      scf.if %cond3A_160 {
        %add3A_212 = arith.constant 4 : i32
        %add3A_213 = arith.addi %mul3A_82, %add3A_212 : i32
        %add3A_214 = arith.constant 0 : i32
        %add3A_215 = arith.addi %add3A_213, %add3A_214 : i32
        %mul3A_216 = arith.constant 40 : i32
        %mul3A_217 = arith.muli %add3A_215, %mul3A_216 : i32
        %dma_start3A_218 = tpu.memref_slice %arg5[%mul3A_217] : memref<10000xi32, #tpu.memory_space<vmem>> -> memref<40xi32, #tpu.memory_space<vmem>>
        %dma_start3A_219 = arith.constant 0 : i32
        %dma_start3A_220 = arith.constant 0 : i32
        %dma_start3A_221 = tpu.memref_slice %arg3[%dma_start3A_219, %dma_start3A_220] : memref<20000x128xf32, #tpu.memory_space<hbm>> -> memref<20000x128xf32, #tpu.memory_space<hbm>>
        tpu.enqueue_indirect_dma source(%dma_start3A_221 : memref<20000x128xf32, #tpu.memory_space<hbm>>) target(%arg7 : memref<40x128xf32, #tpu.memory_space<vmem>>) offsets(%dma_start3A_218 : memref<40xi32, #tpu.memory_space<vmem>>) semaphore(%arg13 : memref<!tpu.dma_semaphore, #tpu.memory_space<semaphore_mem>>)
      } else {
      }
      %add3A_161 = arith.constant 1 : i32
      %add3A_162 = arith.addi %mul3A_82, %add3A_161 : i32
      %mul3A_163 = arith.constant 40 : i32
      %mul3A_164 = arith.muli %add3A_162, %mul3A_163 : i32
      %dma_wait3A_165 = tpu.memref_slice %arg6[%mul3A_164] : memref<10000xi32, #tpu.memory_space<vmem>> -> memref<40xi32, #tpu.memory_space<vmem>>
      %dma_wait3A_166 = arith.constant 0 : i32
      %dma_wait3A_167 = arith.constant 0 : i32
      %dma_wait3A_168 = tpu.memref_slice %arg12[%dma_wait3A_166, %dma_wait3A_167] : memref<10240x128xf32, #tpu.memory_space<vmem_shared>> -> memref<10240x128xf32, #tpu.memory_space<vmem_shared>>
      tpu.wait_indirect_dma semaphore(%arg14 : memref<!tpu.dma_semaphore, #tpu.memory_space<semaphore_mem>>) src(%arg8 : memref<40x128xf32, #tpu.memory_space<vmem>>) dst(%dma_wait3A_168 : memref<10240x128xf32, #tpu.memory_space<vmem_shared>>)
      %add3A_169 = arith.constant 4 : i32
      %add3A_170 = arith.addi %mul3A_82, %add3A_169 : i32
      %add3A_171 = arith.constant 1 : i32
      %add3A_172 = arith.addi %add3A_170, %add3A_171 : i32
      %lt3A_173 = arith.constant 250 : i32
      %lt3A_174 = arith.cmpi slt, %add3A_172, %lt3A_173 : i32
      %convert_element_type3A_175 = arith.extui %lt3A_174 : i1 to i32
      %cond3A_176 = arith.constant 0 : i32
      %cond3A_177 = arith.cmpi ne, %convert_element_type3A_175, %cond3A_176 : i32
      scf.if %cond3A_177 {
        %add3A_212 = arith.constant 4 : i32
        %add3A_213 = arith.addi %mul3A_82, %add3A_212 : i32
        %add3A_214 = arith.constant 1 : i32
        %add3A_215 = arith.addi %add3A_213, %add3A_214 : i32
        %mul3A_216 = arith.constant 40 : i32
        %mul3A_217 = arith.muli %add3A_215, %mul3A_216 : i32
        %dma_start3A_218 = tpu.memref_slice %arg5[%mul3A_217] : memref<10000xi32, #tpu.memory_space<vmem>> -> memref<40xi32, #tpu.memory_space<vmem>>
        %dma_start3A_219 = arith.constant 0 : i32
        %dma_start3A_220 = arith.constant 0 : i32
        %dma_start3A_221 = tpu.memref_slice %arg3[%dma_start3A_219, %dma_start3A_220] : memref<20000x128xf32, #tpu.memory_space<hbm>> -> memref<20000x128xf32, #tpu.memory_space<hbm>>
        tpu.enqueue_indirect_dma source(%dma_start3A_221 : memref<20000x128xf32, #tpu.memory_space<hbm>>) target(%arg8 : memref<40x128xf32, #tpu.memory_space<vmem>>) offsets(%dma_start3A_218 : memref<40xi32, #tpu.memory_space<vmem>>) semaphore(%arg14 : memref<!tpu.dma_semaphore, #tpu.memory_space<semaphore_mem>>)
      } else {
      }
      %add3A_178 = arith.constant 2 : i32
      %add3A_179 = arith.addi %mul3A_82, %add3A_178 : i32
      %mul3A_180 = arith.constant 40 : i32
      %mul3A_181 = arith.muli %add3A_179, %mul3A_180 : i32
      %dma_wait3A_182 = tpu.memref_slice %arg6[%mul3A_181] : memref<10000xi32, #tpu.memory_space<vmem>> -> memref<40xi32, #tpu.memory_space<vmem>>
      %dma_wait3A_183 = arith.constant 0 : i32
      %dma_wait3A_184 = arith.constant 0 : i32
      %dma_wait3A_185 = tpu.memref_slice %arg12[%dma_wait3A_183, %dma_wait3A_184] : memref<10240x128xf32, #tpu.memory_space<vmem_shared>> -> memref<10240x128xf32, #tpu.memory_space<vmem_shared>>
      tpu.wait_indirect_dma semaphore(%arg15 : memref<!tpu.dma_semaphore, #tpu.memory_space<semaphore_mem>>) src(%arg9 : memref<40x128xf32, #tpu.memory_space<vmem>>) dst(%dma_wait3A_185 : memref<10240x128xf32, #tpu.memory_space<vmem_shared>>)
      %add3A_186 = arith.constant 4 : i32
      %add3A_187 = arith.addi %mul3A_82, %add3A_186 : i32
      %add3A_188 = arith.constant 2 : i32
      %add3A_189 = arith.addi %add3A_187, %add3A_188 : i32
      %lt3A_190 = arith.constant 250 : i32
      %lt3A_191 = arith.cmpi slt, %add3A_189, %lt3A_190 : i32
      %convert_element_type3A_192 = arith.extui %lt3A_191 : i1 to i32
      %cond3A_193 = arith.constant 0 : i32
      %cond3A_194 = arith.cmpi ne, %convert_element_type3A_192, %cond3A_193 : i32
      scf.if %cond3A_194 {
        %add3A_212 = arith.constant 4 : i32
        %add3A_213 = arith.addi %mul3A_82, %add3A_212 : i32
        %add3A_214 = arith.constant 2 : i32
        %add3A_215 = arith.addi %add3A_213, %add3A_214 : i32
        %mul3A_216 = arith.constant 40 : i32
        %mul3A_217 = arith.muli %add3A_215, %mul3A_216 : i32
        %dma_start3A_218 = tpu.memref_slice %arg5[%mul3A_217] : memref<10000xi32, #tpu.memory_space<vmem>> -> memref<40xi32, #tpu.memory_space<vmem>>
        %dma_start3A_219 = arith.constant 0 : i32
        %dma_start3A_220 = arith.constant 0 : i32
        %dma_start3A_221 = tpu.memref_slice %arg3[%dma_start3A_219, %dma_start3A_220] : memref<20000x128xf32, #tpu.memory_space<hbm>> -> memref<20000x128xf32, #tpu.memory_space<hbm>>
        tpu.enqueue_indirect_dma source(%dma_start3A_221 : memref<20000x128xf32, #tpu.memory_space<hbm>>) target(%arg9 : memref<40x128xf32, #tpu.memory_space<vmem>>) offsets(%dma_start3A_218 : memref<40xi32, #tpu.memory_space<vmem>>) semaphore(%arg15 : memref<!tpu.dma_semaphore, #tpu.memory_space<semaphore_mem>>)
      } else {
      }
      %add3A_195 = arith.constant 3 : i32
      %add3A_196 = arith.addi %mul3A_82, %add3A_195 : i32
      %mul3A_197 = arith.constant 40 : i32
      %mul3A_198 = arith.muli %add3A_196, %mul3A_197 : i32
      %dma_wait3A_199 = tpu.memref_slice %arg6[%mul3A_198] : memref<10000xi32, #tpu.memory_space<vmem>> -> memref<40xi32, #tpu.memory_space<vmem>>
      %dma_wait3A_200 = arith.constant 0 : i32
      %dma_wait3A_201 = arith.constant 0 : i32
      %dma_wait3A_202 = tpu.memref_slice %arg12[%dma_wait3A_200, %dma_wait3A_201] : memref<10240x128xf32, #tpu.memory_space<vmem_shared>> -> memref<10240x128xf32, #tpu.memory_space<vmem_shared>>
      tpu.wait_indirect_dma semaphore(%arg16 : memref<!tpu.dma_semaphore, #tpu.memory_space<semaphore_mem>>) src(%arg10 : memref<40x128xf32, #tpu.memory_space<vmem>>) dst(%dma_wait3A_202 : memref<10240x128xf32, #tpu.memory_space<vmem_shared>>)
      %add3A_203 = arith.constant 4 : i32
      %add3A_204 = arith.addi %mul3A_82, %add3A_203 : i32
      %add3A_205 = arith.constant 3 : i32
      %add3A_206 = arith.addi %add3A_204, %add3A_205 : i32
      %lt3A_207 = arith.constant 250 : i32
      %lt3A_208 = arith.cmpi slt, %add3A_206, %lt3A_207 : i32
      %convert_element_type3A_209 = arith.extui %lt3A_208 : i1 to i32
      %cond3A_210 = arith.constant 0 : i32
      %cond3A_211 = arith.cmpi ne, %convert_element_type3A_209, %cond3A_210 : i32
      scf.if %cond3A_211 {
        %add3A_212 = arith.constant 4 : i32
        %add3A_213 = arith.addi %mul3A_82, %add3A_212 : i32
        %add3A_214 = arith.constant 3 : i32
        %add3A_215 = arith.addi %add3A_213, %add3A_214 : i32
        %mul3A_216 = arith.constant 40 : i32
        %mul3A_217 = arith.muli %add3A_215, %mul3A_216 : i32
        %dma_start3A_218 = tpu.memref_slice %arg5[%mul3A_217] : memref<10000xi32, #tpu.memory_space<vmem>> -> memref<40xi32, #tpu.memory_space<vmem>>
        %dma_start3A_219 = arith.constant 0 : i32
        %dma_start3A_220 = arith.constant 0 : i32
        %dma_start3A_221 = tpu.memref_slice %arg3[%dma_start3A_219, %dma_start3A_220] : memref<20000x128xf32, #tpu.memory_space<hbm>> -> memref<20000x128xf32, #tpu.memory_space<hbm>>
        tpu.enqueue_indirect_dma source(%dma_start3A_221 : memref<20000x128xf32, #tpu.memory_space<hbm>>) target(%arg10 : memref<40x128xf32, #tpu.memory_space<vmem>>) offsets(%dma_start3A_218 : memref<40xi32, #tpu.memory_space<vmem>>) semaphore(%arg16 : memref<!tpu.dma_semaphore, #tpu.memory_space<semaphore_mem>>)
      } else {
      }
    }
    %scan3A_41 = arith.constant 62 : i32
    %dma_wait3A = arith.constant 9920 : i32
    %dma_wait3A_42 = tpu.memref_slice %arg5[%dma_wait3A] : memref<10000xi32, #tpu.memory_space<vmem>> -> memref<40xi32, #tpu.memory_space<vmem>>
    %dma_wait3A_43 = arith.constant 0 : i32
    %dma_wait3A_44 = arith.constant 0 : i32
    %dma_wait3A_45 = tpu.memref_slice %arg3[%dma_wait3A_43, %dma_wait3A_44] : memref<20000x128xf32, #tpu.memory_space<hbm>> -> memref<20000x128xf32, #tpu.memory_space<hbm>>
    tpu.wait_indirect_dma semaphore(%arg13 : memref<!tpu.dma_semaphore, #tpu.memory_space<semaphore_mem>>) src(%dma_wait3A_45 : memref<20000x128xf32, #tpu.memory_space<hbm>>) dst(%arg7 : memref<40x128xf32, #tpu.memory_space<vmem>>)
    %dma_start3A_46 = arith.constant 9920 : i32
    %dma_start3A_47 = tpu.memref_slice %arg6[%dma_start3A_46] : memref<10000xi32, #tpu.memory_space<vmem>> -> memref<40xi32, #tpu.memory_space<vmem>>
    %dma_start3A_48 = arith.constant 0 : i32
    %dma_start3A_49 = arith.constant 0 : i32
    %dma_start3A_50 = tpu.memref_slice %arg12[%dma_start3A_48, %dma_start3A_49] : memref<10240x128xf32, #tpu.memory_space<vmem_shared>> -> memref<10240x128xf32, #tpu.memory_space<vmem_shared>>
    tpu.enqueue_indirect_dma source(%arg7 : memref<40x128xf32, #tpu.memory_space<vmem>>) target(%dma_start3A_50 : memref<10240x128xf32, #tpu.memory_space<vmem_shared>>) offsets(%dma_start3A_47 : memref<40xi32, #tpu.memory_space<vmem>>) semaphore(%arg13 : memref<!tpu.dma_semaphore, #tpu.memory_space<semaphore_mem>>) {add = true}
    %dma_wait3A_51 = arith.constant 9960 : i32
    %dma_wait3A_52 = tpu.memref_slice %arg5[%dma_wait3A_51] : memref<10000xi32, #tpu.memory_space<vmem>> -> memref<40xi32, #tpu.memory_space<vmem>>
    %dma_wait3A_53 = arith.constant 0 : i32
    %dma_wait3A_54 = arith.constant 0 : i32
    %dma_wait3A_55 = tpu.memref_slice %arg3[%dma_wait3A_53, %dma_wait3A_54] : memref<20000x128xf32, #tpu.memory_space<hbm>> -> memref<20000x128xf32, #tpu.memory_space<hbm>>
    tpu.wait_indirect_dma semaphore(%arg14 : memref<!tpu.dma_semaphore, #tpu.memory_space<semaphore_mem>>) src(%dma_wait3A_55 : memref<20000x128xf32, #tpu.memory_space<hbm>>) dst(%arg8 : memref<40x128xf32, #tpu.memory_space<vmem>>)
    %dma_start3A_56 = arith.constant 9960 : i32
    %dma_start3A_57 = tpu.memref_slice %arg6[%dma_start3A_56] : memref<10000xi32, #tpu.memory_space<vmem>> -> memref<40xi32, #tpu.memory_space<vmem>>
    %dma_start3A_58 = arith.constant 0 : i32
    %dma_start3A_59 = arith.constant 0 : i32
    %dma_start3A_60 = tpu.memref_slice %arg12[%dma_start3A_58, %dma_start3A_59] : memref<10240x128xf32, #tpu.memory_space<vmem_shared>> -> memref<10240x128xf32, #tpu.memory_space<vmem_shared>>
    tpu.enqueue_indirect_dma source(%arg8 : memref<40x128xf32, #tpu.memory_space<vmem>>) target(%dma_start3A_60 : memref<10240x128xf32, #tpu.memory_space<vmem_shared>>) offsets(%dma_start3A_57 : memref<40xi32, #tpu.memory_space<vmem>>) semaphore(%arg14 : memref<!tpu.dma_semaphore, #tpu.memory_space<semaphore_mem>>) {add = true}
    %dma_wait3A_61 = arith.constant 9920 : i32
    %dma_wait3A_62 = tpu.memref_slice %arg6[%dma_wait3A_61] : memref<10000xi32, #tpu.memory_space<vmem>> -> memref<40xi32, #tpu.memory_space<vmem>>
    %dma_wait3A_63 = arith.constant 0 : i32
    %dma_wait3A_64 = arith.constant 0 : i32
    %dma_wait3A_65 = tpu.memref_slice %arg12[%dma_wait3A_63, %dma_wait3A_64] : memref<10240x128xf32, #tpu.memory_space<vmem_shared>> -> memref<10240x128xf32, #tpu.memory_space<vmem_shared>>
    tpu.wait_indirect_dma semaphore(%arg13 : memref<!tpu.dma_semaphore, #tpu.memory_space<semaphore_mem>>) src(%arg7 : memref<40x128xf32, #tpu.memory_space<vmem>>) dst(%dma_wait3A_65 : memref<10240x128xf32, #tpu.memory_space<vmem_shared>>)
    %dma_wait3A_66 = arith.constant 9960 : i32
    %dma_wait3A_67 = tpu.memref_slice %arg6[%dma_wait3A_66] : memref<10000xi32, #tpu.memory_space<vmem>> -> memref<40xi32, #tpu.memory_space<vmem>>
    %dma_wait3A_68 = arith.constant 0 : i32
    %dma_wait3A_69 = arith.constant 0 : i32
    %dma_wait3A_70 = tpu.memref_slice %arg12[%dma_wait3A_68, %dma_wait3A_69] : memref<10240x128xf32, #tpu.memory_space<vmem_shared>> -> memref<10240x128xf32, #tpu.memory_space<vmem_shared>>
    tpu.wait_indirect_dma semaphore(%arg14 : memref<!tpu.dma_semaphore, #tpu.memory_space<semaphore_mem>>) src(%arg8 : memref<40x128xf32, #tpu.memory_space<vmem>>) dst(%dma_wait3A_70 : memref<10240x128xf32, #tpu.memory_space<vmem_shared>>)
    %barrier3A_71 = arith.constant 0 : index
    tpu.barrier barrier_id(%barrier3A_71)
    %mul3A_72 = arith.constant 640 : i32
    %mul3A_73 = arith.muli %arg1, %mul3A_72 : i32
    %mul3A_74 = arith.constant 640 : i32
    %mul3A_75 = arith.muli %arg1, %mul3A_74 : i32
    "tpu.region"() ({
      %run_scoped3A = tpu.sem_alloc : memref<!tpu.dma_semaphore, #tpu.memory_space<semaphore_mem>>
      %dma_start3A_76 = arith.constant 0 : i32
      %dma_start3A_77 = tpu.memref_slice %arg4[%arg0, %mul3A_75, %dma_start3A_76] : memref<2x10240x128xf32, #tpu.memory_space<hbm>> -> memref<1x640x128xf32, #tpu.memory_space<hbm>>
      %dma_start3A_78 = tpu.memref_squeeze %dma_start3A_77 : memref<1x640x128xf32, #tpu.memory_space<hbm>> -> memref<640x128xf32, #tpu.memory_space<hbm>>
      %dma_start3A_79 = arith.constant 0 : i32
      %dma_start3A_80 = tpu.memref_slice %arg12[%mul3A_73, %dma_start3A_79] : memref<10240x128xf32, #tpu.memory_space<vmem_shared>> -> memref<640x128xf32, #tpu.memory_space<vmem_shared>>
      tpu.enqueue_dma source(%dma_start3A_80 : memref<640x128xf32, #tpu.memory_space<vmem_shared>>) target(%dma_start3A_78 : memref<640x128xf32, #tpu.memory_space<hbm>>) target_semaphore(%run_scoped3A : memref<!tpu.dma_semaphore, #tpu.memory_space<semaphore_mem>>)
      %dma_wait3A_81 = arith.constant 0 : i32
      %dma_wait3A_82 = tpu.memref_slice %arg4[%arg0, %mul3A_75, %dma_wait3A_81] : memref<2x10240x128xf32, #tpu.memory_space<hbm>> -> memref<1x640x128xf32, #tpu.memory_space<hbm>>
      %dma_wait3A_83 = tpu.memref_squeeze %dma_wait3A_82 : memref<1x640x128xf32, #tpu.memory_space<hbm>> -> memref<640x128xf32, #tpu.memory_space<hbm>>
      %dma_wait3A_84 = arith.constant 0 : i32
      %dma_wait3A_85 = tpu.memref_slice %arg12[%mul3A_73, %dma_wait3A_84] : memref<10240x128xf32, #tpu.memory_space<vmem_shared>> -> memref<640x128xf32, #tpu.memory_space<vmem_shared>>
      tpu.wait_dma2 semaphore(%run_scoped3A : memref<!tpu.dma_semaphore, #tpu.memory_space<semaphore_mem>>) src(%dma_wait3A_85 : memref<640x128xf32, #tpu.memory_space<vmem_shared>>) dst(%dma_wait3A_83 : memref<640x128xf32, #tpu.memory_space<hbm>>)
      tpu.yield
    }) : () -> ()
    return
  }
}

module attributes {stable_mosaic.version = 14 : i64} {
  func.func @_k1a_body(%arg0: i32, %arg1: memref<2000x256xf32, #tpu.memory_space<vmem>>, %arg2: memref<256x256xf32, #tpu.memory_space<vmem>>, %arg3: memref<4000x128xf32, #tpu.memory_space<vmem>>) attributes {dimension_semantics = [#tpu.dimension_semantics<arbitrary>], iteration_bounds = array<i64: 5>, scalar_prefetch = 0 : i64, scratch_operands = 0 : i64, tpu.core_type = #tpu.core_type<tc>, window_params = [{transform_indices = @transform_0, window_bounds = array<i64: 2000, 256>}, {pipeline_mode = #tpu.pipeline_mode<synchronous>, transform_indices = @transform_1, window_bounds = array<i64: 256, 256>}, {transform_indices = @transform_2, window_bounds = array<i64: 4000, 128>}]} {
    %get3A = arith.constant 0 : index
    %get3A_0 = arith.constant 0 : index
    %get3A_1 = vector.load %arg1[%get3A, %get3A_0] : memref<2000x256xf32, #tpu.memory_space<vmem>>, vector<2000x256xf32>
    %get3A_2 = arith.constant 0 : index
    %get3A_3 = arith.constant 0 : index
    %get3A_4 = vector.load %arg2[%get3A_2, %get3A_3] : memref<256x256xf32, #tpu.memory_space<vmem>>, vector<256x256xf32>
    %dot_general3A = arith.constant dense<0.000000e+00> : vector<2000x256xf32>
    %dot_general3A_5 = tpu.matmul %get3A_1, %get3A_4, %dot_general3A {dimension_numbers = #tpu.dot_dimension_numbers<[1], [0], [0], [1], [0, 0, 1, 1], [], []>, transpose_lhs_hint = false} : vector<2000x256xf32>, vector<256x256xf32>, vector<2000x256xf32> -> vector<2000x256xf32>
    %reshape3A = vector.shape_cast %dot_general3A_5 : vector<2000x256xf32> to vector<4000x128xf32>
    %swap3A = arith.constant 0 : index
    %swap3A_6 = arith.constant 0 : index
    %swap3A_7 = vector.load %arg3[%swap3A, %swap3A_6] : memref<4000x128xf32, #tpu.memory_space<vmem>>, vector<4000x128xf32>
    tpu.vector_store %arg3[%swap3A, %swap3A_6], %reshape3A {strides = array<i32>} : memref<4000x128xf32, #tpu.memory_space<vmem>>, vector<4000x128xf32>,
    return
  }
  func.func @transform_0(%arg0: i32) -> (i32, i32) {
    %c0_i32 = arith.constant 0 : i32
    %c0_i32_0 = arith.constant 0 : i32
    return %arg0, %c0_i32 : i32, i32
  }
  func.func @transform_1(%arg0: i32) -> (i32, i32) {
    %c0_i32 = arith.constant 0 : i32
    %c0_i32_0 = arith.constant 0 : i32
    %c0_i32_1 = arith.constant 0 : i32
    return %c0_i32, %c0_i32_0 : i32, i32
  }
  func.func @transform_2(%arg0: i32) -> (i32, i32) {
    %c0_i32 = arith.constant 0 : i32
    %c0_i32_0 = arith.constant 0 : i32
    return %arg0, %c0_i32 : i32, i32
  }
}

module attributes {stable_mosaic.version = 14 : i64} {
  func.func @_k1b_body(%arg0: i32, %arg1: memref<2000x1xf32, #tpu.memory_space<vmem>>, %arg2: memref<4000x128xf32, #tpu.memory_space<vmem>>, %arg3: memref<4000x128xf32, #tpu.memory_space<vmem>>, %arg4: memref<2000x1xf32, #tpu.memory_space<vmem>>) attributes {dimension_semantics = [#tpu.dimension_semantics<arbitrary>], iteration_bounds = array<i64: 5>, scalar_prefetch = 0 : i64, scratch_operands = 0 : i64, tpu.core_type = #tpu.core_type<tc>, window_params = [{transform_indices = @transform_0, window_bounds = array<i64: 2000, 1>}, {transform_indices = @transform_1, window_bounds = array<i64: 4000, 128>}, {transform_indices = @transform_2, window_bounds = array<i64: 4000, 128>}, {transform_indices = @transform_3, window_bounds = array<i64: 2000, 1>}]} {
    %get3A = arith.constant 0 : index
    %get3A_0 = arith.constant 0 : index
    %get3A_1 = vector.load %arg1[%get3A, %get3A_0] : memref<2000x1xf32, #tpu.memory_space<vmem>>, vector<2000x1xf32>
    %add3A = arith.constant 1.000000e+00 : f32
    %add3A_2 = vector.broadcast %add3A : f32 to vector<2000x1xf32>
    %add3A_3 = arith.addf %get3A_1, %add3A_2 : vector<2000x1xf32>
    %rsqrt3A = math.rsqrt %add3A_3 : vector<2000x1xf32>
    %get3A_4 = arith.constant 0 : index
    %get3A_5 = arith.constant 0 : index
    %get3A_6 = vector.load %arg2[%get3A_4, %get3A_5] : memref<4000x128xf32, #tpu.memory_space<vmem>>, vector<4000x128xf32>
    %reshape3A = vector.shape_cast %get3A_6 : vector<4000x128xf32> to vector<2000x256xf32>
    %mul3A = vector.broadcast %rsqrt3A : vector<2000x1xf32> to vector<2000x256xf32>
    %mul3A_7 = arith.mulf %reshape3A, %mul3A : vector<2000x256xf32>
    %reshape3A_8 = vector.shape_cast %mul3A_7 : vector<2000x256xf32> to vector<4000x128xf32>
    %swap3A = arith.constant 0 : index
    %swap3A_9 = arith.constant 0 : index
    %swap3A_10 = vector.load %arg3[%swap3A, %swap3A_9] : memref<4000x128xf32, #tpu.memory_space<vmem>>, vector<4000x128xf32>
    tpu.vector_store %arg3[%swap3A, %swap3A_9], %reshape3A_8 {strides = array<i32>} : memref<4000x128xf32, #tpu.memory_space<vmem>>, vector<4000x128xf32>,
    %swap3A_11 = arith.constant 0 : index
    %swap3A_12 = arith.constant 0 : index
    %swap3A_13 = vector.load %arg4[%swap3A_11, %swap3A_12] : memref<2000x1xf32, #tpu.memory_space<vmem>>, vector<2000x1xf32>
    tpu.vector_store %arg4[%swap3A_11, %swap3A_12], %rsqrt3A {strides = array<i32>} : memref<2000x1xf32, #tpu.memory_space<vmem>>, vector<2000x1xf32>,
    return
  }
  func.func @transform_0(%arg0: i32) -> (i32, i32) {
    %c0_i32 = arith.constant 0 : i32
    %c0_i32_0 = arith.constant 0 : i32
    return %arg0, %c0_i32 : i32, i32
  }
  func.func @transform_1(%arg0: i32) -> (i32, i32) {
    %c0_i32 = arith.constant 0 : i32
    %c0_i32_0 = arith.constant 0 : i32
    return %arg0, %c0_i32 : i32, i32
  }
  func.func @transform_2(%arg0: i32) -> (i32, i32) {
    %c0_i32 = arith.constant 0 : i32
    %c0_i32_0 = arith.constant 0 : i32
    return %arg0, %c0_i32 : i32, i32
  }
  func.func @transform_3(%arg0: i32) -> (i32, i32) {
    %c0_i32 = arith.constant 0 : i32
    %c0_i32_0 = arith.constant 0 : i32
    return %arg0, %c0_i32 : i32, i32
  }
}

module attributes {stable_mosaic.version = 14 : i64} {
  func.func @_k2_body(%arg0: i32, %arg1: memref<1x2000x128xf32, #tpu.memory_space<vmem>>, %arg2: memref<1x2000x128xf32, #tpu.memory_space<vmem>>, %arg3: memref<4000x128xf32, #tpu.memory_space<vmem>>, %arg4: memref<2000x1xf32, #tpu.memory_space<vmem>>, %arg5: memref<1x256xf32, #tpu.memory_space<vmem>>, %arg6: memref<256x256xf32, #tpu.memory_space<vmem>>, %arg7: memref<4000x128xf32, #tpu.memory_space<vmem>>) attributes {dimension_semantics = [#tpu.dimension_semantics<arbitrary>], iteration_bounds = array<i64: 5>, scalar_prefetch = 0 : i64, scratch_operands = 0 : i64, tpu.core_type = #tpu.core_type<tc>, window_params = [{transform_indices = @transform_0, window_bounds = array<i64: 1, 2000, 128>}, {transform_indices = @transform_1, window_bounds = array<i64: 1, 2000, 128>}, {transform_indices = @transform_2, window_bounds = array<i64: 4000, 128>}, {transform_indices = @transform_3, window_bounds = array<i64: 2000, 1>}, {pipeline_mode = #tpu.pipeline_mode<synchronous>, transform_indices = @transform_4, window_bounds = array<i64: 1, 256>}, {pipeline_mode = #tpu.pipeline_mode<synchronous>, transform_indices = @transform_5, window_bounds = array<i64: 256, 256>}, {transform_indices = @transform_6, window_bounds = array<i64: 4000, 128>}]} {
    %get3A = arith.constant 0 : index
    %get3A_0 = arith.constant 0 : index
    %get3A_1 = vector.load %arg4[%get3A, %get3A_0] : memref<2000x1xf32, #tpu.memory_space<vmem>>, vector<2000x1xf32>
    %get3A_2 = arith.constant 0 : index
    %get3A_3 = arith.constant 0 : index
    %get3A_4 = arith.constant 0 : index
    %get3A_5 = vector.load %arg1[%get3A_2, %get3A_3, %get3A_4] : memref<1x2000x128xf32, #tpu.memory_space<vmem>>, vector<1x2000x128xf32>
    %get3A_6 = vector.shape_cast %get3A_5 : vector<1x2000x128xf32> to vector<2000x128xf32>
    %get3A_7 = arith.constant 0 : index
    %get3A_8 = arith.constant 0 : index
    %get3A_9 = arith.constant 0 : index
    %get3A_10 = vector.load %arg2[%get3A_7, %get3A_8, %get3A_9] : memref<1x2000x128xf32, #tpu.memory_space<vmem>>, vector<1x2000x128xf32>
    %get3A_11 = vector.shape_cast %get3A_10 : vector<1x2000x128xf32> to vector<2000x128xf32>
    %concatenate3A = tpu.concatenate %get3A_6, %get3A_11 in 1 : vector<2000x128xf32>, vector<2000x128xf32> -> vector<2000x256xf32>
    %get3A_12 = arith.constant 0 : index
    %get3A_13 = arith.constant 0 : index
    %get3A_14 = vector.load %arg3[%get3A_12, %get3A_13] : memref<4000x128xf32, #tpu.memory_space<vmem>>, vector<4000x128xf32>
    %reshape3A = vector.shape_cast %get3A_14 : vector<4000x128xf32> to vector<2000x256xf32>
    %add3A = arith.addf %concatenate3A, %reshape3A : vector<2000x256xf32>
    %mul3A = vector.broadcast %get3A_1 : vector<2000x1xf32> to vector<2000x256xf32>
    %mul3A_15 = arith.mulf %mul3A, %add3A : vector<2000x256xf32>
    %get3A_16 = arith.constant 0 : index
    %get3A_17 = arith.constant 0 : index
    %get3A_18 = vector.load %arg5[%get3A_16, %get3A_17] : memref<1x256xf32, #tpu.memory_space<vmem>>, vector<1x256xf32>
    %add3A_19 = vector.broadcast %get3A_18 : vector<1x256xf32> to vector<2000x256xf32>
    %add3A_20 = arith.addf %mul3A_15, %add3A_19 : vector<2000x256xf32>
    %max3A = arith.constant 0.000000e+00 : f32
    %max3A_21 = vector.broadcast %max3A : f32 to vector<2000x256xf32>
    %max3A_22 = arith.maximumf %add3A_20, %max3A_21 : vector<2000x256xf32>
    %get3A_23 = arith.constant 0 : index
    %get3A_24 = arith.constant 0 : index
    %get3A_25 = vector.load %arg6[%get3A_23, %get3A_24] : memref<256x256xf32, #tpu.memory_space<vmem>>, vector<256x256xf32>
    %dot_general3A = arith.constant dense<0.000000e+00> : vector<2000x256xf32>
    %dot_general3A_26 = tpu.matmul %max3A_22, %get3A_25, %dot_general3A {dimension_numbers = #tpu.dot_dimension_numbers<[1], [0], [0], [1], [0, 0, 1, 1], [], []>, transpose_lhs_hint = false} : vector<2000x256xf32>, vector<256x256xf32>, vector<2000x256xf32> -> vector<2000x256xf32>
    %mul3A_27 = vector.broadcast %get3A_1 : vector<2000x1xf32> to vector<2000x256xf32>
    %mul3A_28 = arith.mulf %mul3A_27, %dot_general3A_26 : vector<2000x256xf32>
    %reshape3A_29 = vector.shape_cast %mul3A_28 : vector<2000x256xf32> to vector<4000x128xf32>
    %swap3A = arith.constant 0 : index
    %swap3A_30 = arith.constant 0 : index
    %swap3A_31 = vector.load %arg7[%swap3A, %swap3A_30] : memref<4000x128xf32, #tpu.memory_space<vmem>>, vector<4000x128xf32>
    tpu.vector_store %arg7[%swap3A, %swap3A_30], %reshape3A_29 {strides = array<i32>} : memref<4000x128xf32, #tpu.memory_space<vmem>>, vector<4000x128xf32>,
    return
  }
  func.func @transform_0(%arg0: i32) -> (i32, i32, i32) {
    %c0_i32 = arith.constant 0 : i32
    %c0_i32_0 = arith.constant 0 : i32
    %c0_i32_1 = arith.constant 0 : i32
    return %c0_i32, %arg0, %c0_i32_0 : i32, i32, i32
  }
  func.func @transform_1(%arg0: i32) -> (i32, i32, i32) {
    %c1_i32 = arith.constant 1 : i32
    %c0_i32 = arith.constant 0 : i32
    %c0_i32_0 = arith.constant 0 : i32
    return %c1_i32, %arg0, %c0_i32 : i32, i32, i32
  }
  func.func @transform_2(%arg0: i32) -> (i32, i32) {
    %c0_i32 = arith.constant 0 : i32
    %c0_i32_0 = arith.constant 0 : i32
    return %arg0, %c0_i32 : i32, i32
  }
  func.func @transform_3(%arg0: i32) -> (i32, i32) {
    %c0_i32 = arith.constant 0 : i32
    %c0_i32_0 = arith.constant 0 : i32
    return %arg0, %c0_i32 : i32, i32
  }
  func.func @transform_4(%arg0: i32) -> (i32, i32) {
    %c0_i32 = arith.constant 0 : i32
    %c0_i32_0 = arith.constant 0 : i32
    %c0_i32_1 = arith.constant 0 : i32
    return %c0_i32, %c0_i32_0 : i32, i32
  }
  func.func @transform_5(%arg0: i32) -> (i32, i32) {
    %c0_i32 = arith.constant 0 : i32
    %c0_i32_0 = arith.constant 0 : i32
    %c0_i32_1 = arith.constant 0 : i32
    return %c0_i32, %c0_i32_0 : i32, i32
  }
  func.func @transform_6(%arg0: i32) -> (i32, i32) {
    %c0_i32 = arith.constant 0 : i32
    %c0_i32_0 = arith.constant 0 : i32
    return %arg0, %c0_i32 : i32, i32
  }
}

module attributes {stable_mosaic.version = 14 : i64} {
  func.func @_k3_body(%arg0: i32, %arg1: memref<1x2000x128xf32, #tpu.memory_space<vmem>>, %arg2: memref<1x2000x128xf32, #tpu.memory_space<vmem>>, %arg3: memref<4000x128xf32, #tpu.memory_space<vmem>>, %arg4: memref<2000x1xf32, #tpu.memory_space<vmem>>, %arg5: memref<1x256xf32, #tpu.memory_space<vmem>>, %arg6: memref<2000x256xf32, #tpu.memory_space<vmem>>) attributes {dimension_semantics = [#tpu.dimension_semantics<arbitrary>], iteration_bounds = array<i64: 5>, scalar_prefetch = 0 : i64, scratch_operands = 0 : i64, tpu.core_type = #tpu.core_type<tc>, window_params = [{transform_indices = @transform_0, window_bounds = array<i64: 1, 2000, 128>}, {transform_indices = @transform_1, window_bounds = array<i64: 1, 2000, 128>}, {transform_indices = @transform_2, window_bounds = array<i64: 4000, 128>}, {transform_indices = @transform_3, window_bounds = array<i64: 2000, 1>}, {pipeline_mode = #tpu.pipeline_mode<synchronous>, transform_indices = @transform_4, window_bounds = array<i64: 1, 256>}, {transform_indices = @transform_5, window_bounds = array<i64: 2000, 256>}]} {
    %get3A = arith.constant 0 : index
    %get3A_0 = arith.constant 0 : index
    %get3A_1 = arith.constant 0 : index
    %get3A_2 = vector.load %arg1[%get3A, %get3A_0, %get3A_1] : memref<1x2000x128xf32, #tpu.memory_space<vmem>>, vector<1x2000x128xf32>
    %get3A_3 = vector.shape_cast %get3A_2 : vector<1x2000x128xf32> to vector<2000x128xf32>
    %get3A_4 = arith.constant 0 : index
    %get3A_5 = arith.constant 0 : index
    %get3A_6 = arith.constant 0 : index
    %get3A_7 = vector.load %arg2[%get3A_4, %get3A_5, %get3A_6] : memref<1x2000x128xf32, #tpu.memory_space<vmem>>, vector<1x2000x128xf32>
    %get3A_8 = vector.shape_cast %get3A_7 : vector<1x2000x128xf32> to vector<2000x128xf32>
    %concatenate3A = tpu.concatenate %get3A_3, %get3A_8 in 1 : vector<2000x128xf32>, vector<2000x128xf32> -> vector<2000x256xf32>
    %get3A_9 = arith.constant 0 : index
    %get3A_10 = arith.constant 0 : index
    %get3A_11 = vector.load %arg3[%get3A_9, %get3A_10] : memref<4000x128xf32, #tpu.memory_space<vmem>>, vector<4000x128xf32>
    %reshape3A = vector.shape_cast %get3A_11 : vector<4000x128xf32> to vector<2000x256xf32>
    %get3A_12 = arith.constant 0 : index
    %get3A_13 = arith.constant 0 : index
    %get3A_14 = vector.load %arg4[%get3A_12, %get3A_13] : memref<2000x1xf32, #tpu.memory_space<vmem>>, vector<2000x1xf32>
    %add3A = arith.addf %concatenate3A, %reshape3A : vector<2000x256xf32>
    %mul3A = vector.broadcast %get3A_14 : vector<2000x1xf32> to vector<2000x256xf32>
    %mul3A_15 = arith.mulf %mul3A, %add3A : vector<2000x256xf32>
    %get3A_16 = arith.constant 0 : index
    %get3A_17 = arith.constant 0 : index
    %get3A_18 = vector.load %arg5[%get3A_16, %get3A_17] : memref<1x256xf32, #tpu.memory_space<vmem>>, vector<1x256xf32>
    %add3A_19 = vector.broadcast %get3A_18 : vector<1x256xf32> to vector<2000x256xf32>
    %add3A_20 = arith.addf %mul3A_15, %add3A_19 : vector<2000x256xf32>
    %swap3A = arith.constant 0 : index
    %swap3A_21 = arith.constant 0 : index
    %swap3A_22 = vector.load %arg6[%swap3A, %swap3A_21] : memref<2000x256xf32, #tpu.memory_space<vmem>>, vector<2000x256xf32>
    tpu.vector_store %arg6[%swap3A, %swap3A_21], %add3A_20 {strides = array<i32>} : memref<2000x256xf32, #tpu.memory_space<vmem>>, vector<2000x256xf32>,
    return
  }
  func.func @transform_0(%arg0: i32) -> (i32, i32, i32) {
    %c0_i32 = arith.constant 0 : i32
    %c0_i32_0 = arith.constant 0 : i32
    %c0_i32_1 = arith.constant 0 : i32
    return %c0_i32, %arg0, %c0_i32_0 : i32, i32, i32
  }
  func.func @transform_1(%arg0: i32) -> (i32, i32, i32) {
    %c1_i32 = arith.constant 1 : i32
    %c0_i32 = arith.constant 0 : i32
    %c0_i32_0 = arith.constant 0 : i32
    return %c1_i32, %arg0, %c0_i32 : i32, i32, i32
  }
  func.func @transform_2(%arg0: i32) -> (i32, i32) {
    %c0_i32 = arith.constant 0 : i32
    %c0_i32_0 = arith.constant 0 : i32
    return %arg0, %c0_i32 : i32, i32
  }
  func.func @transform_3(%arg0: i32) -> (i32, i32) {
    %c0_i32 = arith.constant 0 : i32
    %c0_i32_0 = arith.constant 0 : i32
    return %arg0, %c0_i32 : i32, i32
  }
  func.func @transform_4(%arg0: i32) -> (i32, i32) {
    %c0_i32 = arith.constant 0 : i32
    %c0_i32_0 = arith.constant 0 : i32
    %c0_i32_1 = arith.constant 0 : i32
    return %c0_i32, %c0_i32_0 : i32, i32
  }
  func.func @transform_5(%arg0: i32) -> (i32, i32) {
    %c0_i32 = arith.constant 0 : i32
    %c0_i32_0 = arith.constant 0 : i32
    return %arg0, %c0_i32 : i32, i32
  }
}

</mosaic_0001>

<sc_bundles>
// kernel: kernel.12.cloned.1.call-start
scs
__scs_entry_jumppad:
0x0: {  	(pc) =	sbr.rel $0x88, $3  }
0x1: {  	(tag) =	ssettag $0x0;
	lr =	simm.s32 $0x1  }
0x2: {  	[smem:$0x3F9B] =	sst lr;
	_ =	strace $0xD0000000  }
0x3: {  	_ = 	snop  }
0x4: {  	_ = 	snop  }
0x5: {  	_ = 	snop  }
0x6: {  	_ = 	snop  }
0x7: {  	_ = 	snop  }
__scs_overlays_trampoline_lowered:
0x8: {  	[smem:$0x3FAA] =	sst s0  }
0x9: {  	[smem:$0x3FAB] =	sst s1  }
0xa: {  	[smem:$0x3FAC] =	sst s2  }
0xb: {  	[smem:$0x3FAD] =	sst s3  }
0xc: {  	[smem:$0x3FAE] =	sst s4  }
0xd: {  	[smem:$0x3FAF] =	sst s5  }
0xe: {  	[smem:$0x3FB0] =	sst s6  }
0xf: {  	[smem:$0x3FB1] =	sst s7  }
0x10: {  	[smem:$0x3FB2] =	sst s8  }
0x11: {  	[smem:$0x3FB3] =	sst s9;
	s0 =	simm.s32 @!p0 $0x0  }
0x12: {  	s1 =	sld [smem:$0x3F99];
	s0 =	simm.s32 @p0 $0x1  }
0x13: {  	[smem:$0x3FB4] =	sst s0;
	s0 =	simm.s32 @!p1 $0x0  }
0x14: {  	s2 =	sld [smem:$0x3F98];
	s0 =	simm.s32 @p1 $0x1  }
0x15: {  	[smem:$0x3FB5] =	sst s0;
	s0 =	simm.s32 @!p2 $0x0  }
0x16: {  	s3 =	sld [smem:$0x3FDB];
	s0 =	simm.s32 @p2 $0x1  }
0x17: {  	s4 =	simm.s32 $0x1BF5;
	[smem:$0x3FB7] =	sst s0  }
0x18: {  	s0 =	sld [smem:$0x3F9A];
	_ =	swait.ge [sflag:s4], $0x0  }
0x19: {  	s7 =	sld [smem:$0x3F9B]  }
0x1a: {  	s8 =	sadd.s32 $0xFFFFE003, lr  }
0x1b: {  	s9 =	sadd.s32 $0xFFFFFEF7, lr;
	s5 =	simm.s32 $0xFFFFFFFF;
	p2 =	slt.u32 s8, $0xFFFFF086  }
0x1c: {  	p1 =	slt.u32 s9, $0xF7A;
	s5 =	simm.s32 @!p2 $0x0  }
0x1d: {  	s5 =	simm.s32 @p1 $0x1;
	p0 =	seq.s32 s7, s2  }
0x1e: {  	s7 =	smul.u32 @!p0 $0xF7A, s2;
	p2 =	seq.s32 @!p0 s5, $0x0  }
0x1f: {  	s9 =	smul.u32 $0xF7A, s1;
	s8 =	simm.s32 @!p0 $0x1BF5;
	p2 =	por !p2, p0  }
0x20: {  	[sflag:s8] =	ssyncset.s32 @!p0 $0xFFFFF086;
	s6 =	sadd.s32 @!p0 s3, s7;
	s7 =	simm.s32 @!p0 $0x108  }
0x21: {  	s3 =	sadd.s32 s3, s9;
	s6 =	sadd.s32 @!p0 $0x88, s6;
	s7 =	simm.s32 @p2 $0x1082  }
0x22: {  	[simem:s7], [sflag:s8] =	dma.local @!p0 [hbm:s6], $0xF7A  }
0x23: {  	s9 =	sor.u32 $0xD0000000, s2;
	s6 =	simm.s32 $0x108;
	_ =	swait.ge @!p0 [sflag:s8], $0x0  }
0x24: {  	s3 =	sadd.s32 $0x88, s3;
	s6 =	simm.s32 @!p1 $0x1082;
	[sflag:s4] =	ssyncset.s32 $0xFFFFF086  }
0x25: {  	[simem:s6], [sflag:s4] =	dma.local [hbm:s3], $0xF7A  }
0x26: {  	[smem:$0x3F9B] =	sst s1;
	(tag) =	ssettag s2;
	_ =	strace s9  }
0x27: {  	s1 =	sld [smem:$0x3FAB]  }
0x28: {  	s2 =	sld [smem:$0x3FAC]  }
0x29: {  	s4 =	sld [smem:$0x3FAE]  }
0x2a: {  	p0 =	seq.s32 s5, $0x0;
	s5 =	sld [smem:$0x3FAF]  }
0x2b: {  	s6 =	sld [smem:$0x3FB0]  }
0x2c: {  	s7 =	sld [smem:$0x3FB1]  }
0x2d: {  	s3 =	simm.s32 $0x108;
	s8 =	sld [smem:$0x3FB2]  }
0x2e: {  	s3 =	simm.s32 @!p0 $0x1082;
	s9 =	sld [smem:$0x3FB3]  }
0x2f: {  	lr =	sadd.s32 s0, s3;
	s0 =	sld [smem:$0x3FAA]  }
0x30: {  	s3 =	sld [smem:$0x3FAD]  }
0x31: {  	[smem:$0x3FB6] =	sst s10  }
0x32: {  	s10 =	sld [smem:$0x3FB4];
	_ =	sdelay $0x3  }
0x33: {  	p0 =	seq.s32 s10, $0x1;
	s10 =	sld [smem:$0x3FB6];
	_ =	sdelay $0x3  }
0x34: {  	[smem:$0x3FB6] =	sst s10  }
0x35: {  	s10 =	sld [smem:$0x3FB5];
	_ =	sdelay $0x3  }
0x36: {  	p1 =	seq.s32 s10, $0x1;
	s10 =	sld [smem:$0x3FB6];
	_ =	sdelay $0x3  }
0x37: {  	[smem:$0x3FB6] =	sst s10  }
0x38: {  	s10 =	sld [smem:$0x3FB7]  }
0x39: {  	_ = 	snop;
	(pc) =	sbr.ind lr, $3  }
0x3a: {  	_ = 	snop  }
0x3b: {  	_ = 	snop  }
0x3c: {  	p2 =	seq.s32 s10, $0x1;
	s10 =	sld [smem:$0x3FB6]  }
0x3d: {  	_ =	shalt  }
0x3e: {  	_ =	shalt  }
0x3f: {  	_ =	shalt  }
0x40: {  	_ =	shalt  }
0x41: {  	_ =	shalt  }
0x42: {  	_ =	shalt  }
0x43: {  	_ =	shalt  }
0x44: {  	_ =	shalt  }
0x45: {  	_ =	shalt  }
0x46: {  	_ =	shalt  }
0x47: {  	_ =	shalt  }
0x48: {  	_ =	shalt  }
0x49: {  	_ =	shalt  }
0x4a: {  	_ =	shalt  }
0x4b: {  	_ =	shalt  }
0x4c: {  	_ =	shalt  }
0x4d: {  	_ =	shalt  }
0x4e: {  	_ =	shalt  }
0x4f: {  	_ =	shalt  }
0x50: {  	_ =	shalt  }
0x51: {  	_ =	shalt  }
0x52: {  	_ =	shalt  }
0x53: {  	_ =	shalt  }
0x54: {  	_ =	shalt  }
0x55: {  	_ =	shalt  }
0x56: {  	_ =	shalt  }
0x57: {  	_ =	shalt  }
0x58: {  	_ =	shalt  }
0x59: {  	_ =	shalt  }
0x5a: {  	_ =	shalt  }
0x5b: {  	_ =	shalt  }
0x5c: {  	_ =	shalt  }
0x5d: {  	_ =	shalt  }
0x5e: {  	_ =	shalt  }
0x5f: {  	_ =	shalt  }
0x60: {  	_ =	shalt  }
0x61: {  	_ =	shalt  }
0x62: {  	_ =	shalt  }
0x63: {  	_ =	shalt  }
0x64: {  	_ =	shalt  }
0x65: {  	_ =	shalt  }
0x66: {  	_ =	shalt  }
0x67: {  	_ =	shalt  }
0x68: {  	_ =	shalt  }
0x69: {  	_ =	shalt  }
0x6a: {  	_ =	shalt  }
0x6b: {  	_ =	shalt  }
0x6c: {  	_ =	shalt  }
0x6d: {  	_ =	shalt  }
0x6e: {  	_ =	shalt  }
0x6f: {  	_ =	shalt  }
0x70: {  	_ =	shalt  }
0x71: {  	_ =	shalt  }
0x72: {  	_ =	shalt  }
0x73: {  	_ =	shalt  }
0x74: {  	_ =	shalt  }
0x75: {  	_ =	shalt  }
0x76: {  	_ =	shalt  }
0x77: {  	_ =	shalt  }
0x78: {  	_ =	shalt  }
0x79: {  	_ =	shalt  }
0x7a: {  	_ =	shalt  }
0x7b: {  	_ =	shalt  }
0x7c: {  	_ =	shalt  }
0x7d: {  	_ =	shalt  }
0x7e: {  	_ =	shalt  }
0x7f: {  	_ =	shalt  }
0x80: {  	_ =	shalt  }
0x81: {  	_ =	shalt  }
0x82: {  	_ =	shalt  }
0x83: {  	_ =	shalt  }
0x84: {  	_ =	shalt  }
0x85: {  	_ =	shalt  }
0x86: {  	_ =	shalt  }
0x87: {  	_ =	shalt  }
.Lfunc_end0:
.L_simem_size_0:
called_computation.1_lowered:
.L_overlay_start_0:
0x88: {  	s2 =	sld [smem:$0x3FD9]  }
0x89: {  	s3 =	sld [smem:$0x3FFE];
	_ =	sdelay $0x1  }
0x8a: {  	s1 =	srdreg.scid  }
0x8b: {  	s0 =	sand.u32 $0x1, s1  }
0x8c: {  	s17 =	sshll.u32 s0, $0xA;
	s2 =	sadd.s32 s3, s2  }
0x8d: {  	s2 =	sadd.s32 s2, s17  }
0x8e: {  	[smem:$0x3FC2] =	sst s2  }
0x8f: {  	_ = 	snop  }
0x90: {  	s2 =	sld [smem:$0x3FD0];
	(tm) =	ssettm $0x1  }
0x91: {  	s18 =	sld [smem:$0x3FFB];
	_ =	sdelay $0x3  }
0x92: {  	_ =	strace s18  }
0x93: {  	s3 =	sld [smem:$0x3FFC];
	_ =	sdelay $0x3  }
0x94: {  	_ =	strace s3  }
0x95: {  	s3 =	sld [smem:$0x3FFD];
	_ =	sdelay $0x3  }
0x96: {  	_ =	strace s3  }
0x97: {  	_ =	strace $0x8FFFFFFF  }
0x98: {  	s19 =	sld [smem:$0x3FDB];
	_ =	sdelay $0x1  }
0x99: {  	s4 =	simm.s32 $_scs_section_size  }
0x9a: {  	s5 =	simm.s32 $_size__tile_overlayer_lowered;
	s6 =	simm.s32 $_tile_overlayer_lowered  }
0x9b: {  	s22 =	simm.s32 $0x1BFF;
	s21 =	sshll.u32 s6, $0x1;
	s3 =	sadd.s32 s4, s19  }
0x9c: {  	s7 =	simm.s32 $0x0;
	s20 =	sshll.u32 s5, $0x1;
	s5 =	sadd.s32 s21, s3  }
0x9d: {  	[timem:s7], [sflag:s22] =	dma.local [hbm:s5], s20  }
0x9e: {  	_ =	swait.ge [sflag:s22], s20  }
0x9f: {  	s4 =	ssub.s32 $0x0, s20;
	[sflag:s22] =	ssyncset.done $0x0  }
0xa0: {  	[sflag:s22] =	ssyncadd.s32 s4;
	_ =	sdelay $0x1  }
0xa1: {  	s23 =	simm.s32 $0x1B8B  }
0xa2: {  	_ =	swait.ge [sflag:s23], $0x1  }
0xa3: {  	[sflag:s23] =	ssyncset.done $0x0  }
0xa4: {  	s25 =	simm.s32 $0x1B8E;
	s24 =	sld [smem:$0x3FFE];
	[sflag:s23] =	ssyncadd.s32 $0xFFFFFFFF  }
0xa5: {  	s26 =	simm.s32 $execute0_lowered;
	[smem:$0x3FD2] =	sst s25  }
0xa6: {  	s5 =	sshll.u32 s26, $0x1;
	_ =	strace $0x80000049;
	[dreg:$0x1] =	wrdreg $0xFFFFFFFF  }
0xa7: {  	s28 =	simm.s32 $_size_execute0_lowered;
	s3 =	sadd.s32 s3, s5;
	[dreg:$0x0] =	wrdreg $0x0  }
0xa8: {  	s5 =	sshll.u32 s28, $0x1;
	[dreg:$0x2] =	wrdreg s3  }
0xa9: {  	[dreg:$0x3] =	wrdreg s5  }
0xaa: {  	[dreg:$0x4] =	wrdreg $0xC0  }
0xab: {  	_ =	task [dreg:s7], $0x5FFFF  }
0xac: {  	[dreg:$0x1] =	wrdreg $0xFFFFFFFF  }
0xad: {  	[dreg:$0x0] =	wrdreg $0x60  }
0xae: {  	[dreg:$0x2] =	wrdreg s24  }
0xaf: {  	[dreg:$0x3] =	wrdreg s2  }
0xb0: {  	[dreg:$0x4] =	wrdreg $0xA3000  }
0xb1: {  	[dreg:$0x5] =	wrdreg $0x9  }
0xb2: {  	_ =	task.clear_ibuf [dreg:s7], $0x6FFFF;
	_ =	strace $0x90000049  }
0xb3: {  	s29 =	simm.s32 $0x9;
	_ =	strace $0x8000004B  }
0xb4: {  	_ =	swait.ge [sflag:s29], $0x1  }
0xb5: {  	[sflag:s29] =	ssyncadd.s32 $0xFFFFFFFF  }
0xb6: {  	_ =	strace $0x9000004B  }
0xb7: {  	_ =	sfence  }
0xb8: {  	s30 =	sld [smem:$0x0];
	_ =	sdelay $0x2  }
0xb9: {  	s31 =	sshll.u32 s1, $0xD;
	s1 =	sshrl.u32 s1, $0x2  }
0xba: {  	s3 =	sand.u32 $0x4000, s31;
	s1 =	sadd.s32 s1, s30  }
0xbb: {  	s0 =	sor.u32 s3, s0;
	s1 =	sshll.u32 s1, $0x11  }
0xbc: {  	s0 =	sor.u32 s1, s0  }
0xbd: {  	s0 =	sadd.s32 $0x8F2B, s0  }
0xbe: {  	[sflag:s0] =	ssyncadd.remote.s32 $0x1  }
0xbf: {  	_ =	sfence.sel $0xFFFF  }
0xc0: {  	[dreg:$0x0] =	wrdreg $0xFFFFFFFF;
	(pc) =	sbr.abs _section_cstart, $3  }
0xc1: {  	[dreg:$0x1] =	wrdreg $0xFFFFFFFF  }
0xc2: {  	_ =	task.clear_ibuf [dreg:s7], $0x2FFFF;
	_ =	strace $0x9FFFFFFF  }
0xc3: {  	(tm) =	ssettm $0x7FFFFFFF  }
tec
execute0_lowered:
.L_overlay_start_1:
0x0: {  	(tag) =	ssettag $0x1  }
0x1: {  	s1 =	rddreg [dreg:$0x0];
	s0 =	stileid.u32  }
0x2: {  	s3 =	srdreg.scid;
	s2 =	rddreg [dreg:$0x1];
	s7 =	simm.s32 $0x0  }
0x3: {  	s10 =	simm.s32 $0x5;
	s11 =	simm.s32 $0x9F00;
	s13 =	simm.s32 $0x28  }
0x4: {  	s14 =	simm.s32 $0x4F00;
	s15 =	simm.s32 $0x6300;
	s17 =	simm.s32 $0x7700  }
0x5: {  	s19 =	simm.s32 $0x8B00;
	s20 =	simm.s32 $0x1;
	s21 =	simm.s32 $0x2  }
0x6: {  	s22 =	simm.s32 $0x3;
	s28 =	simm.s32 $0x4E18;
	s4 =	smul.u32 $0x2710, s0  }
0x7: {  	s29 =	simm.s32 $0x26C0;
	s30 =	simm.s32 $0x26E8;
	s6 =	smul.u32 $0x14000, s0  }
0x8: {  	s12 =	sand.u32 $0x1, s3;
	s3 =	rddreg [dreg:$0x2];
	s24 =	smul.u32 $0x50000, s0  }
0x9: {  	s31 =	simm.s32 $0x4E40;
	[smem:$0x7FF] =	sst s7;
	s5 =	smul.u32 $0x140000, s12  }
0xa: {  	_ =	strace $0x8000004A;
	s23 =	ssub.s32 $0x2, s12;
	s4 =	sshrl.u32 s4, $0x3  }
0xb: {  	s25 =	sshrl.u32 s23, $0x1;
	s26 =	sshrl.u32 s24, $0x2;
	s24 =	simm.s32 $0x4DA0  }
0xc: {  	s5 =	sadd.s32 s6, s5;
	s4 =	sadd.s32 s4, s1;
	s9 =	ssub.s32 s23, s25  }
0xd: {  	s6 =	sadd.s32 s26, s3;
	s23 =	simm.s32 $0x4;
	s25 =	simm.s32 $0x4DC8  }
0xe: {  	s26 =	simm.s32 $0x4DF0;
	s5 =	sshrl.u32 s5, $0x3;
	s7 =	sadd.s32 $0x6E20, s4  }
0xf: {  	s9 =	smax.u32 s9, $0x1;
	s1 =	sadd.s32 s5, s1;
	s5 =	sadd.s32 $0x2000, s4  }
0x10: {  	v1 =	vimm.f32 $0.0e+00;
	v0 =	vmov s12;
	s4 =	simm.s32 $0x0;
	s8 =	sadd.s32 $0xBE00, s1;
	s1 =	simm.s32 $0x4E68  }
.LBB2_1:
0x11: {  	s12 =	simm.s32 $0x0  }
0x12: {  	[tilespmem:s12], [sflag:$0x5] =	stream.linear.gather [hbm4b:s5+s12], $0x2710, $0x38;
	[tilespmem:$0x1E300] =	vst v63  }
0x13: {  	_ =	swait.ge [sflag:s10], $0x2710  }
0x14: {  	[sflag:s10] =	ssyncset.done $0x0  }
0x15: {  	s16 =	simm.s32 $0x40;
	s12 =	simm.s32 $0x0;
	[sflag:s10] =	ssyncadd.s32 $0xFFFFD8F0  }
.LBB2_2:
0x16: {  	p0 =	sne.s32 s16, $0x9C00;
	v2 =	vld [tilespmem:s12+$0x0];
	_ =	sdelay $0x2  }
.Ltmp0:
0x17: {  	(pc) =	sbr.rel @p0 .LBB2_2-.Ltmp0, $4  }
0x18: {  	_ = 	snop  }
0x19: {  	v2 =	vshll.u32 v2, $0x1  }
0x1a: {  	v2 =	vor.u32 v0, v2  }
0x1b: {  	[tilespmem:s12+$0x0] =	vst v2;
	s12 =	sshra.s32 s16, $0x2;
	s16 =	sadd.s32 $0x40, s16  }
0x1c: {  	v2 =	vld [tilespmem:s12+$0x0];
	_ =	sdelay $0x4  }
0x1d: {  	v2 =	vshll.u32 v2, $0x1  }
0x1e: {  	v2 =	vor.u32 v0, v2  }
0x1f: {  	[tilespmem:s12+$0x0] =	vst v2  }
0x20: {  	[tilespmem:$0x9F00] =	vst v1  }
0x21: {  	[tilespmem:$0x9F10] =	vst v1  }
0x22: {  	[tilespmem:$0x9F20] =	vst v1  }
0x23: {  	[tilespmem:$0x9F30] =	vst v1  }
0x24: {  	[tilespmem:$0x9F40] =	vst v1  }
0x25: {  	[tilespmem:$0x9F50] =	vst v1  }
0x26: {  	[tilespmem:$0x9F60] =	vst v1  }
0x27: {  	[tilespmem:$0x9F70] =	vst v1  }
0x28: {  	[tilespmem:$0x9F80] =	vst v1  }
0x29: {  	[tilespmem:$0x9F90] =	vst v1  }
0x2a: {  	[tilespmem:$0x9FA0] =	vst v1  }
0x2b: {  	[tilespmem:$0x9FB0] =	vst v1  }
0x2c: {  	[tilespmem:$0x9FC0] =	vst v1  }
0x2d: {  	[tilespmem:$0x9FD0] =	vst v1  }
0x2e: {  	[tilespmem:$0x9FE0] =	vst v1  }
0x2f: {  	[tilespmem:$0x9FF0] =	vst v1  }
0x30: {  	[tilespmem:$0xA000] =	vst v1  }
0x31: {  	[tilespmem:$0xA010] =	vst v1  }
0x32: {  	[tilespmem:$0xA020] =	vst v1  }
0x33: {  	[tilespmem:$0xA030] =	vst v1  }
0x34: {  	[tilespmem:$0xA040] =	vst v1  }
0x35: {  	[tilespmem:$0xA050] =	vst v1  }
0x36: {  	[tilespmem:$0xA060] =	vst v1  }
0x37: {  	[tilespmem:$0xA070] =	vst v1  }
0x38: {  	[tilespmem:$0xA080] =	vst v1  }
0x39: {  	[tilespmem:$0xA090] =	vst v1  }
0x3a: {  	[tilespmem:$0xA0A0] =	vst v1  }
0x3b: {  	[tilespmem:$0xA0B0] =	vst v1  }
0x3c: {  	[tilespmem:$0xA0C0] =	vst v1  }
0x3d: {  	[tilespmem:$0xA0D0] =	vst v1  }
0x3e: {  	[tilespmem:$0xA0E0] =	vst v1  }
0x3f: {  	[tilespmem:$0xA0F0] =	vst v1  }
0x40: {  	[tilespmem:$0xA100] =	vst v1  }
0x41: {  	[tilespmem:$0xA110] =	vst v1  }
0x42: {  	[tilespmem:$0xA120] =	vst v1  }
0x43: {  	[tilespmem:$0xA130] =	vst v1  }
0x44: {  	[tilespmem:$0xA140] =	vst v1  }
0x45: {  	[tilespmem:$0xA150] =	vst v1  }
0x46: {  	[tilespmem:$0xA160] =	vst v1  }
0x47: {  	[tilespmem:$0xA170] =	vst v1  }
0x48: {  	[tilespmem:$0xA180] =	vst v1  }
0x49: {  	[tilespmem:$0xA190] =	vst v1  }
0x4a: {  	[tilespmem:$0xA1A0] =	vst v1  }
0x4b: {  	[tilespmem:$0xA1B0] =	vst v1  }
0x4c: {  	[tilespmem:$0xA1C0] =	vst v1  }
0x4d: {  	[tilespmem:$0xA1D0] =	vst v1  }
0x4e: {  	[tilespmem:$0xA1E0] =	vst v1  }
0x4f: {  	[tilespmem:$0xA1F0] =	vst v1  }
0x50: {  	[tilespmem:$0xA200] =	vst v1  }
0x51: {  	[tilespmem:$0xA210] =	vst v1  }
0x52: {  	[tilespmem:$0xA220] =	vst v1  }
0x53: {  	[tilespmem:$0xA230] =	vst v1  }
0x54: {  	[tilespmem:$0xA240] =	vst v1  }
0x55: {  	[tilespmem:$0xA250] =	vst v1  }
0x56: {  	[tilespmem:$0xA260] =	vst v1  }
0x57: {  	[tilespmem:$0xA270] =	vst v1  }
0x58: {  	[tilespmem:$0xA280] =	vst v1  }
0x59: {  	[tilespmem:$0xA290] =	vst v1  }
0x5a: {  	[tilespmem:$0xA2A0] =	vst v1  }
0x5b: {  	[tilespmem:$0xA2B0] =	vst v1  }
0x5c: {  	[tilespmem:$0xA2C0] =	vst v1  }
0x5d: {  	[tilespmem:$0xA2D0] =	vst v1  }
0x5e: {  	[tilespmem:$0xA2E0] =	vst v1  }
0x5f: {  	s18 =	sadd.s32 $0x0, s6;
	[tilespmem:$0xA2F0] =	vst v1  }
0x60: {  	[spmem:s18] =	stream.linear.scatter [tilespmem:s11], [sflag:$0x5], $0x400, $0x38;
	[tilespmem:$0x1E300] =	vst v63  }
0x61: {  	s12 =	simm.s32 $0x1000;
	_ =	swait.ge [sflag:s10], $0x400  }
.LBB2_4:
0x62: {  	s16 =	sshra.s32 s12, $0x2;
	[sflag:s10] =	ssyncset.done $0x0;
	p0 =	sne.s32 s12, $0x4F000  }
.Ltmp1:
0x63: {  	s16 =	sadd.s32 s16, s6;
	[sflag:s10] =	ssyncadd.s32 $0xFFFFFC00;
	(pc) =	sbr.rel @p0 .LBB2_4-.Ltmp1, $3  }
0x64: {  	[spmem:s16] =	stream.linear.scatter [tilespmem:s11], [sflag:$0x5], $0x400, $0x38;
	[tilespmem:$0x1E300] =	vst v63  }
0x65: {  	s12 =	sadd.s32 $0x1000, s12;
	_ =	sdelay $0x1  }
0x66: {  	_ =	swait.ge [sflag:s10], $0x400  }
0x67: {  	[sflag:s10] =	ssyncset.done $0x0  }
0x68: {  	s12 =	simm.s32 $0x0;
	s16 =	simm.s32 $0x2780;
	[sflag:s10] =	ssyncadd.s32 $0xFFFFFC00  }
0x69: {  	[tilespmem:s16], [sflag:$0x5] =	stream.linear.gather [hbm4b:s7+s12], $0x2710, $0x38;
	[tilespmem:$0x1E300] =	vst v63  }
0x6a: {  	_ =	swait.ge [sflag:s10], $0x2710  }
0x6b: {  	[sflag:s10] =	ssyncset.done $0x0  }
0x6c: {  	[sflag:s10] =	ssyncadd.s32 $0xFFFFD8F0  }
0x6d: {  	[bflag:$0x0] =	sbarrier.arrive $0xFFFF  }
0x6e: {  	[tilespmem:s14], [sflag:$0x1] =	stream.indirect.gather [hbm4b:s2+s13], $0x80, s12, s13, $0xb8;
	[tilespmem:$0x1E300] =	vst v63  }
0x6f: {  	_ = 	snop  }
0x70: {  	[tilespmem:s15], [sflag:$0x2] =	stream.indirect.gather [hbm4b:s2+s13], $0x80, s13, s13, $0xb8;
	[tilespmem:$0x1E300] =	vst v63  }
0x71: {  	s18 =	simm.s32 $0x50  }
0x72: {  	[tilespmem:s17], [sflag:$0x3] =	stream.indirect.gather [hbm4b:s2+s13], $0x80, s18, s13, $0xb8;
	[tilespmem:$0x1E300] =	vst v63  }
0x73: {  	s16 =	simm.s32 $0x78  }
0x74: {  	[tilespmem:s19], [sflag:$0x4] =	stream.indirect.gather [hbm4b:s2+s13], $0x80, s16, s13, $0xb8;
	[tilespmem:$0x1E300] =	vst v63  }
0x75: {  	_ =	swait.ge [sflag:s20], $0x1400  }
0x76: {  	[sflag:s20] =	ssyncset.done $0x0  }
0x77: {  	s18 =	simm.s32 $0x2780;
	[sflag:s20] =	ssyncadd.s32 $0xFFFFEC00  }
0x78: {  	[spmem:s3] =	stream.indirect.scatter.add.f32 [tilespmem:s14], [sflag:$0x1], $0x80, s18, s13, $0xb8;
	[tilespmem:$0x1E300] =	vst v63  }
0x79: {  	_ =	swait.ge [sflag:s21], $0x1400  }
0x7a: {  	[sflag:s21] =	ssyncset.done $0x0  }
0x7b: {  	s16 =	simm.s32 $0x27A8;
	[sflag:s21] =	ssyncadd.s32 $0xFFFFEC00  }
0x7c: {  	[spmem:s3] =	stream.indirect.scatter.add.f32 [tilespmem:s15], [sflag:$0x2], $0x80, s16, s13, $0xb8;
	[tilespmem:$0x1E300] =	vst v63  }
0x7d: {  	_ =	swait.ge [sflag:s22], $0x1400  }
0x7e: {  	[sflag:s22] =	ssyncset.done $0x0  }
0x7f: {  	s18 =	simm.s32 $0x27D0;
	[sflag:s22] =	ssyncadd.s32 $0xFFFFEC00  }
0x80: {  	[spmem:s3] =	stream.indirect.scatter.add.f32 [tilespmem:s17], [sflag:$0x3], $0x80, s18, s13, $0xb8;
	[tilespmem:$0x1E300] =	vst v63  }
0x81: {  	_ =	swait.ge [sflag:s23], $0x1400  }
0x82: {  	[sflag:s23] =	ssyncset.done $0x0  }
0x83: {  	s16 =	simm.s32 $0x27F8;
	[sflag:s23] =	ssyncadd.s32 $0xFFFFEC00  }
0x84: {  	[spmem:s3] =	stream.indirect.scatter.add.f32 [tilespmem:s19], [sflag:$0x4], $0x80, s16, s13, $0xb8;
	[tilespmem:$0x1E300] =	vst v63  }
0x85: {  	_ =	swait.ge [sflag:s20], $0x1400  }
0x86: {  	[sflag:s20] =	ssyncset.done $0x0  }
0x87: {  	s18 =	simm.s32 $0xA0;
	[sflag:s20] =	ssyncadd.s32 $0xFFFFEC00  }
0x88: {  	[tilespmem:s14], [sflag:$0x1] =	stream.indirect.gather [hbm4b:s2+s13], $0x80, s18, s13, $0xb8;
	[tilespmem:$0x1E300] =	vst v63  }
0x89: {  	_ =	swait.ge [sflag:s21], $0x1400  }
0x8a: {  	[sflag:s21] =	ssyncset.done $0x0  }
0x8b: {  	s16 =	simm.s32 $0xC8;
	[sflag:s21] =	ssyncadd.s32 $0xFFFFEC00  }
0x8c: {  	[tilespmem:s15], [sflag:$0x2] =	stream.indirect.gather [hbm4b:s2+s13], $0x80, s16, s13, $0xb8;
	[tilespmem:$0x1E300] =	vst v63  }
0x8d: {  	_ =	swait.ge [sflag:s22], $0x1400  }
0x8e: {  	[sflag:s22] =	ssyncset.done $0x0  }
0x8f: {  	s18 =	simm.s32 $0xF0;
	[sflag:s22] =	ssyncadd.s32 $0xFFFFEC00  }
0x90: {  	[tilespmem:s17], [sflag:$0x3] =	stream.indirect.gather [hbm4b:s2+s13], $0x80, s18, s13, $0xb8;
	[tilespmem:$0x1E300] =	vst v63  }
0x91: {  	_ =	swait.ge [sflag:s23], $0x1400  }
0x92: {  	[sflag:s23] =	ssyncset.done $0x0  }
0x93: {  	s12 =	simm.s32 $0x280;
	s16 =	simm.s32 $0x118;
	[sflag:s23] =	ssyncadd.s32 $0xFFFFEC00  }
.LBB2_6:
0x94: {  	[tilespmem:s19], [sflag:$0x4] =	stream.indirect.gather [hbm4b:s2+s13], $0x80, s16, s13, $0xb8;
	[tilespmem:$0x1E300] =	vst v63  }
0x95: {  	s16 =	smov.u32 s12  }
0x96: {  	p0 =	sne.s32 s12, $0x9600;
	s12 =	sadd.s32 $0x280, s12;
	_ =	swait.ge [sflag:s20], $0x1400  }
0x97: {  	s16 =	sshra.s32 s16, $0x2;
	[sflag:s20] =	ssyncset.done $0x0  }
0x98: {  	s18 =	sadd.s32 $0x2780, s16;
	[sflag:s20] =	ssyncadd.s32 $0xFFFFEC00  }
0x99: {  	[spmem:s3] =	stream.indirect.scatter.add.f32 [tilespmem:s14], [sflag:$0x1], $0x80, s18, s13, $0xb8;
	[tilespmem:$0x1E300] =	vst v63  }
0x9a: {  	_ =	swait.ge [sflag:s21], $0x1400  }
0x9b: {  	[sflag:s21] =	ssyncset.done $0x0  }
0x9c: {  	s18 =	sadd.s32 $0x27A8, s16;
	[sflag:s21] =	ssyncadd.s32 $0xFFFFEC00  }
0x9d: {  	[spmem:s3] =	stream.indirect.scatter.add.f32 [tilespmem:s15], [sflag:$0x2], $0x80, s18, s13, $0xb8;
	[tilespmem:$0x1E300] =	vst v63  }
0x9e: {  	_ =	swait.ge [sflag:s22], $0x1400  }
0x9f: {  	[sflag:s22] =	ssyncset.done $0x0  }
0xa0: {  	s18 =	sadd.s32 $0x27D0, s16;
	[sflag:s22] =	ssyncadd.s32 $0xFFFFEC00  }
0xa1: {  	[spmem:s3] =	stream.indirect.scatter.add.f32 [tilespmem:s17], [sflag:$0x3], $0x80, s18, s13, $0xb8;
	[tilespmem:$0x1E300] =	vst v63  }
0xa2: {  	_ =	swait.ge [sflag:s23], $0x1400  }
0xa3: {  	[sflag:s23] =	ssyncset.done $0x0  }
0xa4: {  	s18 =	sadd.s32 $0x27F8, s16;
	[sflag:s23] =	ssyncadd.s32 $0xFFFFEC00  }
0xa5: {  	[spmem:s3] =	stream.indirect.scatter.add.f32 [tilespmem:s19], [sflag:$0x4], $0x80, s18, s13, $0xb8;
	[tilespmem:$0x1E300] =	vst v63  }
0xa6: {  	_ =	swait.ge [sflag:s20], $0x1400  }
0xa7: {  	[sflag:s20] =	ssyncset.done $0x0  }
0xa8: {  	s18 =	sadd.s32 $0xA0, s16;
	[sflag:s20] =	ssyncadd.s32 $0xFFFFEC00  }
0xa9: {  	[tilespmem:s14], [sflag:$0x1] =	stream.indirect.gather [hbm4b:s2+s13], $0x80, s18, s13, $0xb8;
	[tilespmem:$0x1E300] =	vst v63  }
0xaa: {  	_ =	swait.ge [sflag:s21], $0x1400  }
0xab: {  	[sflag:s21] =	ssyncset.done $0x0  }
0xac: {  	s18 =	sadd.s32 $0xC8, s16;
	[sflag:s21] =	ssyncadd.s32 $0xFFFFEC00  }
0xad: {  	[tilespmem:s15], [sflag:$0x2] =	stream.indirect.gather [hbm4b:s2+s13], $0x80, s18, s13, $0xb8;
	[tilespmem:$0x1E300] =	vst v63  }
0xae: {  	_ =	swait.ge [sflag:s22], $0x1400  }
0xaf: {  	[sflag:s22] =	ssyncset.done $0x0  }
.Ltmp2:
0xb0: {  	s18 =	sadd.s32 $0xF0, s16;
	[sflag:s22] =	ssyncadd.s32 $0xFFFFEC00;
	(pc) =	sbr.rel @p0 .LBB2_6-.Ltmp2, $4  }
0xb1: {  	[tilespmem:s17], [sflag:$0x3] =	stream.indirect.gather [hbm4b:s2+s13], $0x80, s18, s13, $0xb8;
	[tilespmem:$0x1E300] =	vst v63  }
0xb2: {  	_ =	swait.ge [sflag:s23], $0x1400  }
0xb3: {  	[sflag:s23] =	ssyncset.done $0x0  }
0xb4: {  	s16 =	sadd.s32 $0x118, s16;
	[sflag:s23] =	ssyncadd.s32 $0xFFFFEC00  }
0xb5: {  	[tilespmem:s19], [sflag:$0x4] =	stream.indirect.gather [hbm4b:s2+s13], $0x80, s16, s13, $0xb8;
	[tilespmem:$0x1E300] =	vst v63  }
0xb6: {  	_ =	swait.ge [sflag:s20], $0x1400  }
0xb7: {  	[sflag:s20] =	ssyncset.done $0x0  }
0xb8: {  	[sflag:s20] =	ssyncadd.s32 $0xFFFFEC00  }
0xb9: {  	[spmem:s3] =	stream.indirect.scatter.add.f32 [tilespmem:s14], [sflag:$0x1], $0x80, s24, s13, $0xb8;
	[tilespmem:$0x1E300] =	vst v63  }
0xba: {  	_ =	swait.ge [sflag:s21], $0x1400  }
0xbb: {  	[sflag:s21] =	ssyncset.done $0x0  }
0xbc: {  	[sflag:s21] =	ssyncadd.s32 $0xFFFFEC00  }
0xbd: {  	[spmem:s3] =	stream.indirect.scatter.add.f32 [tilespmem:s15], [sflag:$0x2], $0x80, s25, s13, $0xb8;
	[tilespmem:$0x1E300] =	vst v63  }
0xbe: {  	_ =	swait.ge [sflag:s22], $0x1400  }
0xbf: {  	[sflag:s22] =	ssyncset.done $0x0  }
0xc0: {  	[sflag:s22] =	ssyncadd.s32 $0xFFFFEC00  }
0xc1: {  	[spmem:s3] =	stream.indirect.scatter.add.f32 [tilespmem:s17], [sflag:$0x3], $0x80, s26, s13, $0xb8;
	[tilespmem:$0x1E300] =	vst v63  }
0xc2: {  	_ =	swait.ge [sflag:s23], $0x1400  }
0xc3: {  	[sflag:s23] =	ssyncset.done $0x0  }
0xc4: {  	[sflag:s23] =	ssyncadd.s32 $0xFFFFEC00  }
0xc5: {  	[spmem:s3] =	stream.indirect.scatter.add.f32 [tilespmem:s19], [sflag:$0x4], $0x80, s28, s13, $0xb8;
	[tilespmem:$0x1E300] =	vst v63  }
0xc6: {  	_ =	swait.ge [sflag:s20], $0x1400  }
0xc7: {  	[sflag:s20] =	ssyncset.done $0x0  }
0xc8: {  	[sflag:s20] =	ssyncadd.s32 $0xFFFFEC00  }
0xc9: {  	[tilespmem:s14], [sflag:$0x1] =	stream.indirect.gather [hbm4b:s2+s13], $0x80, s29, s13, $0xb8;
	[tilespmem:$0x1E300] =	vst v63  }
0xca: {  	_ =	swait.ge [sflag:s21], $0x1400  }
0xcb: {  	[sflag:s21] =	ssyncset.done $0x0  }
0xcc: {  	[sflag:s21] =	ssyncadd.s32 $0xFFFFEC00  }
0xcd: {  	[tilespmem:s15], [sflag:$0x2] =	stream.indirect.gather [hbm4b:s2+s13], $0x80, s30, s13, $0xb8;
	[tilespmem:$0x1E300] =	vst v63  }
0xce: {  	_ =	swait.ge [sflag:s22], $0x1400  }
0xcf: {  	[sflag:s22] =	ssyncset.done $0x0  }
0xd0: {  	[sflag:s22] =	ssyncadd.s32 $0xFFFFEC00  }
0xd1: {  	_ =	swait.ge [sflag:s23], $0x1400  }
0xd2: {  	[sflag:s23] =	ssyncset.done $0x0  }
0xd3: {  	[sflag:s23] =	ssyncadd.s32 $0xFFFFEC00  }
0xd4: {  	_ =	swait.ge [sflag:s20], $0x1400  }
0xd5: {  	[sflag:s20] =	ssyncset.done $0x0  }
0xd6: {  	[sflag:s20] =	ssyncadd.s32 $0xFFFFEC00  }
0xd7: {  	[spmem:s3] =	stream.indirect.scatter.add.f32 [tilespmem:s14], [sflag:$0x1], $0x80, s31, s13, $0xb8;
	[tilespmem:$0x1E300] =	vst v63  }
0xd8: {  	_ =	swait.ge [sflag:s21], $0x1400  }
0xd9: {  	[sflag:s21] =	ssyncset.done $0x0  }
0xda: {  	[sflag:s21] =	ssyncadd.s32 $0xFFFFEC00  }
0xdb: {  	[spmem:s3] =	stream.indirect.scatter.add.f32 [tilespmem:s15], [sflag:$0x2], $0x80, s1, s13, $0xb8;
	[tilespmem:$0x1E300] =	vst v63  }
0xdc: {  	_ =	swait.ge [sflag:s20], $0x1400  }
0xdd: {  	[sflag:s20] =	ssyncset.done $0x0  }
0xde: {  	[sflag:s20] =	ssyncadd.s32 $0xFFFFEC00  }
0xdf: {  	_ =	swait.ge [sflag:s21], $0x1400  }
0xe0: {  	s12 =	sshll.u32 s0, $0x6;
	s4 =	sadd.s32 $0x1, s4;
	[sflag:s21] =	ssyncset.done $0x0  }
0xe1: {  	s18 =	sshrl.u32 s6, $0x3;
	p0 =	sne.s32 s4, s9;
	[sflag:s21] =	ssyncadd.s32 $0xFFFFEC00  }
.Ltmp3:
0xe2: {  	s12 =	sor.u32 $0x1C05, s12;
	[bflag:$0x0] =	sbarrier.arrive $0xFFFF;
	(pc) =	sbr.rel @p0 .LBB2_1-.Ltmp3, $4  }
0xe3: {  	[hbm:s8], [sflag:s12] =	dma.local [spmem:s18], $0x2800  }
0xe4: {  	_ =	swait.ge [sflag:s10], $0x2800  }
0xe5: {  	[sflag:s10] =	ssyncset.done $0x0  }
0xe6: {  	[sflag:s10] =	ssyncadd.s32 $0xFFFFD800  }
0xe7: {  	_ =	sfence.sel $0x180000  }
0xe8: {  	[bflag:$0x0] =	sbarrier.arrive $0xFFFF  }
0xe9: {  	_ =	strace $0x9000004A  }
0xea: {  	[bflag:$0x2] =	sbarrier.arrive $0xFFFF  }
0xeb: {  	p0 =	sne.s32 s0, $0x0;
	s0 =	rddreg [dreg:$0x3]  }
0xec: {  	s0 =	sadd.s32 @!p0 $0x100000, s0  }
0xed: {  	[sflag:s0] =	ssyncadd.tile.s32 @!p0 $0x1;
	_ =	shalt  }
.Lfunc_end2:
_tile_overlayer_lowered:
.L_overlay_start_2:
0xee: {  	(tag) =	ssettag $0x2  }
0xef: {  	s0 =	rddreg [dreg:$0x0];
	s2 =	stileid.u32  }
0xf0: {  	s1 =	rddreg [dreg:$0x1];
	p0 =	sne.s32 s2, $0x0  }
0xf1: {  	s3 =	rddreg [dreg:$0x2];
	[bflag:$0x3] =	sbarrier.arrive $0xFFFF;
	s2 =	simm.s32 @!p0 $0x1C05  }
0xf2: {  	[timem:s3], [sflag:s2] =	dma.local @!p0 [hbm:s0], s1  }
0xf3: {  	s0 =	simm.s32 @!p0 $0x5  }
0xf4: {  	_ =	swait.ge @!p0 [sflag:s0], s1  }
0xf5: {  	s1 =	ssub.s32 @!p0 $0x0, s1;
	[sflag:s0] =	ssyncset.done @!p0 $0x0  }
0xf6: {  	[sflag:s0] =	ssyncadd.s32 @!p0 s1  }
0xf7: {  	[bflag:$0x3] =	sbarrier.arrive $0xFFFF  }
0xf8: {  	_ =	shalt  }

// kernel: kernel.15.cloned.1.call-start
scs
__scs_entry_jumppad:
0x0: {  	(pc) =	sbr.rel $0x88, $3  }
0x1: {  	(tag) =	ssettag $0x0;
	lr =	simm.s32 $0x1  }
0x2: {  	[smem:$0x3F9B] =	sst lr;
	_ =	strace $0xD0000000  }
0x3: {  	_ = 	snop  }
0x4: {  	_ = 	snop  }
0x5: {  	_ = 	snop  }
0x6: {  	_ = 	snop  }
0x7: {  	_ = 	snop  }
__scs_overlays_trampoline_lowered:
0x8: {  	[smem:$0x3FAA] =	sst s0  }
0x9: {  	[smem:$0x3FAB] =	sst s1  }
0xa: {  	[smem:$0x3FAC] =	sst s2  }
0xb: {  	[smem:$0x3FAD] =	sst s3  }
0xc: {  	[smem:$0x3FAE] =	sst s4  }
0xd: {  	[smem:$0x3FAF] =	sst s5  }
0xe: {  	[smem:$0x3FB0] =	sst s6  }
0xf: {  	[smem:$0x3FB1] =	sst s7  }
0x10: {  	[smem:$0x3FB2] =	sst s8  }
0x11: {  	[smem:$0x3FB3] =	sst s9;
	s0 =	simm.s32 @!p0 $0x0  }
0x12: {  	s1 =	sld [smem:$0x3F99];
	s0 =	simm.s32 @p0 $0x1  }
0x13: {  	[smem:$0x3FB4] =	sst s0;
	s0 =	simm.s32 @!p1 $0x0  }
0x14: {  	s2 =	sld [smem:$0x3F98];
	s0 =	simm.s32 @p1 $0x1  }
0x15: {  	[smem:$0x3FB5] =	sst s0;
	s0 =	simm.s32 @!p2 $0x0  }
0x16: {  	s3 =	sld [smem:$0x3FDB];
	s0 =	simm.s32 @p2 $0x1  }
0x17: {  	s4 =	simm.s32 $0x1BF5;
	[smem:$0x3FB7] =	sst s0  }
0x18: {  	s0 =	sld [smem:$0x3F9A];
	_ =	swait.ge [sflag:s4], $0x0  }
0x19: {  	s7 =	sld [smem:$0x3F9B]  }
0x1a: {  	s8 =	sadd.s32 $0xFFFFE003, lr  }
0x1b: {  	s9 =	sadd.s32 $0xFFFFFEF7, lr;
	s5 =	simm.s32 $0xFFFFFFFF;
	p2 =	slt.u32 s8, $0xFFFFF086  }
0x1c: {  	p1 =	slt.u32 s9, $0xF7A;
	s5 =	simm.s32 @!p2 $0x0  }
0x1d: {  	s5 =	simm.s32 @p1 $0x1;
	p0 =	seq.s32 s7, s2  }
0x1e: {  	s7 =	smul.u32 @!p0 $0xF7A, s2;
	p2 =	seq.s32 @!p0 s5, $0x0  }
0x1f: {  	s9 =	smul.u32 $0xF7A, s1;
	s8 =	simm.s32 @!p0 $0x1BF5;
	p2 =	por !p2, p0  }
0x20: {  	[sflag:s8] =	ssyncset.s32 @!p0 $0xFFFFF086;
	s6 =	sadd.s32 @!p0 s3, s7;
	s7 =	simm.s32 @!p0 $0x108  }
0x21: {  	s3 =	sadd.s32 s3, s9;
	s6 =	sadd.s32 @!p0 $0x88, s6;
	s7 =	simm.s32 @p2 $0x1082  }
0x22: {  	[simem:s7], [sflag:s8] =	dma.local @!p0 [hbm:s6], $0xF7A  }
0x23: {  	s9 =	sor.u32 $0xD0000000, s2;
	s6 =	simm.s32 $0x108;
	_ =	swait.ge @!p0 [sflag:s8], $0x0  }
0x24: {  	s3 =	sadd.s32 $0x88, s3;
	s6 =	simm.s32 @!p1 $0x1082;
	[sflag:s4] =	ssyncset.s32 $0xFFFFF086  }
0x25: {  	[simem:s6], [sflag:s4] =	dma.local [hbm:s3], $0xF7A  }
0x26: {  	[smem:$0x3F9B] =	sst s1;
	(tag) =	ssettag s2;
	_ =	strace s9  }
0x27: {  	s1 =	sld [smem:$0x3FAB]  }
0x28: {  	s2 =	sld [smem:$0x3FAC]  }
0x29: {  	s4 =	sld [smem:$0x3FAE]  }
0x2a: {  	p0 =	seq.s32 s5, $0x0;
	s5 =	sld [smem:$0x3FAF]  }
0x2b: {  	s6 =	sld [smem:$0x3FB0]  }
0x2c: {  	s7 =	sld [smem:$0x3FB1]  }
0x2d: {  	s3 =	simm.s32 $0x108;
	s8 =	sld [smem:$0x3FB2]  }
0x2e: {  	s3 =	simm.s32 @!p0 $0x1082;
	s9 =	sld [smem:$0x3FB3]  }
0x2f: {  	lr =	sadd.s32 s0, s3;
	s0 =	sld [smem:$0x3FAA]  }
0x30: {  	s3 =	sld [smem:$0x3FAD]  }
0x31: {  	[smem:$0x3FB6] =	sst s10  }
0x32: {  	s10 =	sld [smem:$0x3FB4];
	_ =	sdelay $0x3  }
0x33: {  	p0 =	seq.s32 s10, $0x1;
	s10 =	sld [smem:$0x3FB6];
	_ =	sdelay $0x3  }
0x34: {  	[smem:$0x3FB6] =	sst s10  }
0x35: {  	s10 =	sld [smem:$0x3FB5];
	_ =	sdelay $0x3  }
0x36: {  	p1 =	seq.s32 s10, $0x1;
	s10 =	sld [smem:$0x3FB6];
	_ =	sdelay $0x3  }
0x37: {  	[smem:$0x3FB6] =	sst s10  }
0x38: {  	s10 =	sld [smem:$0x3FB7]  }
0x39: {  	_ = 	snop;
	(pc) =	sbr.ind lr, $3  }
0x3a: {  	_ = 	snop  }
0x3b: {  	_ = 	snop  }
0x3c: {  	p2 =	seq.s32 s10, $0x1;
	s10 =	sld [smem:$0x3FB6]  }
0x3d: {  	_ =	shalt  }
0x3e: {  	_ =	shalt  }
0x3f: {  	_ =	shalt  }
0x40: {  	_ =	shalt  }
0x41: {  	_ =	shalt  }
0x42: {  	_ =	shalt  }
0x43: {  	_ =	shalt  }
0x44: {  	_ =	shalt  }
0x45: {  	_ =	shalt  }
0x46: {  	_ =	shalt  }
0x47: {  	_ =	shalt  }
0x48: {  	_ =	shalt  }
0x49: {  	_ =	shalt  }
0x4a: {  	_ =	shalt  }
0x4b: {  	_ =	shalt  }
0x4c: {  	_ =	shalt  }
0x4d: {  	_ =	shalt  }
0x4e: {  	_ =	shalt  }
0x4f: {  	_ =	shalt  }
0x50: {  	_ =	shalt  }
0x51: {  	_ =	shalt  }
0x52: {  	_ =	shalt  }
0x53: {  	_ =	shalt  }
0x54: {  	_ =	shalt  }
0x55: {  	_ =	shalt  }
0x56: {  	_ =	shalt  }
0x57: {  	_ =	shalt  }
0x58: {  	_ =	shalt  }
0x59: {  	_ =	shalt  }
0x5a: {  	_ =	shalt  }
0x5b: {  	_ =	shalt  }
0x5c: {  	_ =	shalt  }
0x5d: {  	_ =	shalt  }
0x5e: {  	_ =	shalt  }
0x5f: {  	_ =	shalt  }
0x60: {  	_ =	shalt  }
0x61: {  	_ =	shalt  }
0x62: {  	_ =	shalt  }
0x63: {  	_ =	shalt  }
0x64: {  	_ =	shalt  }
0x65: {  	_ =	shalt  }
0x66: {  	_ =	shalt  }
0x67: {  	_ =	shalt  }
0x68: {  	_ =	shalt  }
0x69: {  	_ =	shalt  }
0x6a: {  	_ =	shalt  }
0x6b: {  	_ =	shalt  }
0x6c: {  	_ =	shalt  }
0x6d: {  	_ =	shalt  }
0x6e: {  	_ =	shalt  }
0x6f: {  	_ =	shalt  }
0x70: {  	_ =	shalt  }
0x71: {  	_ =	shalt  }
0x72: {  	_ =	shalt  }
0x73: {  	_ =	shalt  }
0x74: {  	_ =	shalt  }
0x75: {  	_ =	shalt  }
0x76: {  	_ =	shalt  }
0x77: {  	_ =	shalt  }
0x78: {  	_ =	shalt  }
0x79: {  	_ =	shalt  }
0x7a: {  	_ =	shalt  }
0x7b: {  	_ =	shalt  }
0x7c: {  	_ =	shalt  }
0x7d: {  	_ =	shalt  }
0x7e: {  	_ =	shalt  }
0x7f: {  	_ =	shalt  }
0x80: {  	_ =	shalt  }
0x81: {  	_ =	shalt  }
0x82: {  	_ =	shalt  }
0x83: {  	_ =	shalt  }
0x84: {  	_ =	shalt  }
0x85: {  	_ =	shalt  }
0x86: {  	_ =	shalt  }
0x87: {  	_ =	shalt  }
.Lfunc_end0:
.L_simem_size_0:
called_computation.2_lowered:
.L_overlay_start_0:
0x88: {  	s2 =	sld [smem:$0x3FD9]  }
0x89: {  	s3 =	sld [smem:$0x3FFE];
	_ =	sdelay $0x1  }
0x8a: {  	s1 =	srdreg.scid  }
0x8b: {  	s0 =	sand.u32 $0x1, s1  }
0x8c: {  	s17 =	sshll.u32 s0, $0xA;
	s2 =	sadd.s32 s3, s2  }
0x8d: {  	s2 =	sadd.s32 s2, s17  }
0x8e: {  	[smem:$0x3FC2] =	sst s2  }
0x8f: {  	_ = 	snop  }
0x90: {  	s2 =	sld [smem:$0x3FD0];
	(tm) =	ssettm $0x1  }
0x91: {  	s18 =	sld [smem:$0x3FFB];
	_ =	sdelay $0x3  }
0x92: {  	_ =	strace s18  }
0x93: {  	s3 =	sld [smem:$0x3FFC];
	_ =	sdelay $0x3  }
0x94: {  	_ =	strace s3  }
0x95: {  	s3 =	sld [smem:$0x3FFD];
	_ =	sdelay $0x3  }
0x96: {  	_ =	strace s3  }
0x97: {  	_ =	strace $0x8FFFFFFF  }
0x98: {  	s19 =	sld [smem:$0x3FDB];
	_ =	sdelay $0x1  }
0x99: {  	s4 =	simm.s32 $_scs_section_size  }
0x9a: {  	s5 =	simm.s32 $_size__tile_overlayer_lowered;
	s6 =	simm.s32 $_tile_overlayer_lowered  }
0x9b: {  	s22 =	simm.s32 $0x1BFF;
	s21 =	sshll.u32 s6, $0x1;
	s3 =	sadd.s32 s4, s19  }
0x9c: {  	s7 =	simm.s32 $0x0;
	s20 =	sshll.u32 s5, $0x1;
	s5 =	sadd.s32 s21, s3  }
0x9d: {  	[timem:s7], [sflag:s22] =	dma.local [hbm:s5], s20  }
0x9e: {  	_ =	swait.ge [sflag:s22], s20  }
0x9f: {  	s4 =	ssub.s32 $0x0, s20;
	[sflag:s22] =	ssyncset.done $0x0  }
0xa0: {  	[sflag:s22] =	ssyncadd.s32 s4;
	_ =	sdelay $0x1  }
0xa1: {  	s23 =	simm.s32 $0x1B8B  }
0xa2: {  	_ =	swait.ge [sflag:s23], $0x1  }
0xa3: {  	[sflag:s23] =	ssyncset.done $0x0  }
0xa4: {  	s25 =	simm.s32 $0x1B8E;
	s24 =	sld [smem:$0x3FFE];
	[sflag:s23] =	ssyncadd.s32 $0xFFFFFFFF  }
0xa5: {  	s26 =	simm.s32 $execute0_lowered;
	[smem:$0x3FD2] =	sst s25  }
0xa6: {  	s5 =	sshll.u32 s26, $0x1;
	_ =	strace $0x8000004C;
	[dreg:$0x1] =	wrdreg $0xFFFFFFFF  }
0xa7: {  	s28 =	simm.s32 $_size_execute0_lowered;
	s3 =	sadd.s32 s3, s5;
	[dreg:$0x0] =	wrdreg $0x0  }
0xa8: {  	s5 =	sshll.u32 s28, $0x1;
	[dreg:$0x2] =	wrdreg s3  }
0xa9: {  	[dreg:$0x3] =	wrdreg s5  }
0xaa: {  	[dreg:$0x4] =	wrdreg $0xC0  }
0xab: {  	_ =	task [dreg:s7], $0x5FFFF  }
0xac: {  	[dreg:$0x1] =	wrdreg $0xFFFFFFFF  }
0xad: {  	[dreg:$0x0] =	wrdreg $0x60  }
0xae: {  	[dreg:$0x2] =	wrdreg s24  }
0xaf: {  	[dreg:$0x3] =	wrdreg s2  }
0xb0: {  	[dreg:$0x4] =	wrdreg $0xA3000  }
0xb1: {  	[dreg:$0x5] =	wrdreg $0x9  }
0xb2: {  	_ =	task.clear_ibuf [dreg:s7], $0x6FFFF;
	_ =	strace $0x9000004C  }
0xb3: {  	s29 =	simm.s32 $0x9;
	_ =	strace $0x8000004E  }
0xb4: {  	_ =	swait.ge [sflag:s29], $0x1  }
0xb5: {  	[sflag:s29] =	ssyncadd.s32 $0xFFFFFFFF  }
0xb6: {  	_ =	strace $0x9000004E  }
0xb7: {  	_ =	sfence  }
0xb8: {  	s30 =	sld [smem:$0x0];
	_ =	sdelay $0x2  }
0xb9: {  	s31 =	sshll.u32 s1, $0xD;
	s1 =	sshrl.u32 s1, $0x2  }
0xba: {  	s3 =	sand.u32 $0x4000, s31;
	s1 =	sadd.s32 s1, s30  }
0xbb: {  	s0 =	sor.u32 s3, s0;
	s1 =	sshll.u32 s1, $0x11  }
0xbc: {  	s0 =	sor.u32 s1, s0  }
0xbd: {  	s0 =	sadd.s32 $0x8F2B, s0  }
0xbe: {  	[sflag:s0] =	ssyncadd.remote.s32 $0x1  }
0xbf: {  	_ =	sfence.sel $0xFFFF  }
0xc0: {  	[dreg:$0x0] =	wrdreg $0xFFFFFFFF;
	(pc) =	sbr.abs _section_cstart, $3  }
0xc1: {  	[dreg:$0x1] =	wrdreg $0xFFFFFFFF  }
0xc2: {  	_ =	task.clear_ibuf [dreg:s7], $0x2FFFF;
	_ =	strace $0x9FFFFFFF  }
0xc3: {  	(tm) =	ssettm $0x7FFFFFFF  }
tec
execute0_lowered:
.L_overlay_start_1:
0x0: {  	(tag) =	ssettag $0x1  }
0x1: {  	s1 =	rddreg [dreg:$0x0];
	s0 =	stileid.u32  }
0x2: {  	s3 =	srdreg.scid;
	s2 =	rddreg [dreg:$0x1];
	s7 =	simm.s32 $0x0  }
0x3: {  	s10 =	simm.s32 $0x5;
	s11 =	simm.s32 $0x9F00;
	s13 =	simm.s32 $0x28  }
0x4: {  	s14 =	simm.s32 $0x4F00;
	s15 =	simm.s32 $0x6300;
	s17 =	simm.s32 $0x7700  }
0x5: {  	s19 =	simm.s32 $0x8B00;
	s20 =	simm.s32 $0x1;
	s21 =	simm.s32 $0x2  }
0x6: {  	s22 =	simm.s32 $0x3;
	s28 =	simm.s32 $0x4E18;
	s4 =	smul.u32 $0x2710, s0  }
0x7: {  	s29 =	simm.s32 $0x26C0;
	s30 =	simm.s32 $0x26E8;
	s6 =	smul.u32 $0x14000, s0  }
0x8: {  	s12 =	sand.u32 $0x1, s3;
	s3 =	rddreg [dreg:$0x2];
	s24 =	smul.u32 $0x50000, s0  }
0x9: {  	s31 =	simm.s32 $0x4E40;
	[smem:$0x7FF] =	sst s7;
	s5 =	smul.u32 $0x140000, s12  }
0xa: {  	_ =	strace $0x8000004D;
	s23 =	ssub.s32 $0x2, s12;
	s4 =	sshrl.u32 s4, $0x3  }
0xb: {  	s25 =	sshrl.u32 s23, $0x1;
	s26 =	sshrl.u32 s24, $0x2;
	s24 =	simm.s32 $0x4DA0  }
0xc: {  	s5 =	sadd.s32 s6, s5;
	s4 =	sadd.s32 s4, s1;
	s9 =	ssub.s32 s23, s25  }
0xd: {  	s6 =	sadd.s32 s26, s3;
	s23 =	simm.s32 $0x4;
	s25 =	simm.s32 $0x4DC8  }
0xe: {  	s26 =	simm.s32 $0x4DF0;
	s5 =	sshrl.u32 s5, $0x3;
	s7 =	sadd.s32 $0x6E20, s4  }
0xf: {  	s9 =	smax.u32 s9, $0x1;
	s1 =	sadd.s32 s5, s1;
	s5 =	sadd.s32 $0x2000, s4  }
0x10: {  	v1 =	vimm.f32 $0.0e+00;
	v0 =	vmov s12;
	s4 =	simm.s32 $0x0;
	s8 =	sadd.s32 $0xBE00, s1;
	s1 =	simm.s32 $0x4E68  }
.LBB2_1:
0x11: {  	s12 =	simm.s32 $0x0  }
0x12: {  	[tilespmem:s12], [sflag:$0x5] =	stream.linear.gather [hbm4b:s5+s12], $0x2710, $0x38;
	[tilespmem:$0x1E300] =	vst v63  }
0x13: {  	_ =	swait.ge [sflag:s10], $0x2710  }
0x14: {  	[sflag:s10] =	ssyncset.done $0x0  }
0x15: {  	s16 =	simm.s32 $0x40;
	s12 =	simm.s32 $0x0;
	[sflag:s10] =	ssyncadd.s32 $0xFFFFD8F0  }
.LBB2_2:
0x16: {  	p0 =	sne.s32 s16, $0x9C00;
	v2 =	vld [tilespmem:s12+$0x0];
	_ =	sdelay $0x2  }
.Ltmp0:
0x17: {  	(pc) =	sbr.rel @p0 .LBB2_2-.Ltmp0, $4  }
0x18: {  	_ = 	snop  }
0x19: {  	v2 =	vshll.u32 v2, $0x1  }
0x1a: {  	v2 =	vor.u32 v0, v2  }
0x1b: {  	[tilespmem:s12+$0x0] =	vst v2;
	s12 =	sshra.s32 s16, $0x2;
	s16 =	sadd.s32 $0x40, s16  }
0x1c: {  	v2 =	vld [tilespmem:s12+$0x0];
	_ =	sdelay $0x4  }
0x1d: {  	v2 =	vshll.u32 v2, $0x1  }
0x1e: {  	v2 =	vor.u32 v0, v2  }
0x1f: {  	[tilespmem:s12+$0x0] =	vst v2  }
0x20: {  	[tilespmem:$0x9F00] =	vst v1  }
0x21: {  	[tilespmem:$0x9F10] =	vst v1  }
0x22: {  	[tilespmem:$0x9F20] =	vst v1  }
0x23: {  	[tilespmem:$0x9F30] =	vst v1  }
0x24: {  	[tilespmem:$0x9F40] =	vst v1  }
0x25: {  	[tilespmem:$0x9F50] =	vst v1  }
0x26: {  	[tilespmem:$0x9F60] =	vst v1  }
0x27: {  	[tilespmem:$0x9F70] =	vst v1  }
0x28: {  	[tilespmem:$0x9F80] =	vst v1  }
0x29: {  	[tilespmem:$0x9F90] =	vst v1  }
0x2a: {  	[tilespmem:$0x9FA0] =	vst v1  }
0x2b: {  	[tilespmem:$0x9FB0] =	vst v1  }
0x2c: {  	[tilespmem:$0x9FC0] =	vst v1  }
0x2d: {  	[tilespmem:$0x9FD0] =	vst v1  }
0x2e: {  	[tilespmem:$0x9FE0] =	vst v1  }
0x2f: {  	[tilespmem:$0x9FF0] =	vst v1  }
0x30: {  	[tilespmem:$0xA000] =	vst v1  }
0x31: {  	[tilespmem:$0xA010] =	vst v1  }
0x32: {  	[tilespmem:$0xA020] =	vst v1  }
0x33: {  	[tilespmem:$0xA030] =	vst v1  }
0x34: {  	[tilespmem:$0xA040] =	vst v1  }
0x35: {  	[tilespmem:$0xA050] =	vst v1  }
0x36: {  	[tilespmem:$0xA060] =	vst v1  }
0x37: {  	[tilespmem:$0xA070] =	vst v1  }
0x38: {  	[tilespmem:$0xA080] =	vst v1  }
0x39: {  	[tilespmem:$0xA090] =	vst v1  }
0x3a: {  	[tilespmem:$0xA0A0] =	vst v1  }
0x3b: {  	[tilespmem:$0xA0B0] =	vst v1  }
0x3c: {  	[tilespmem:$0xA0C0] =	vst v1  }
0x3d: {  	[tilespmem:$0xA0D0] =	vst v1  }
0x3e: {  	[tilespmem:$0xA0E0] =	vst v1  }
0x3f: {  	[tilespmem:$0xA0F0] =	vst v1  }
0x40: {  	[tilespmem:$0xA100] =	vst v1  }
0x41: {  	[tilespmem:$0xA110] =	vst v1  }
0x42: {  	[tilespmem:$0xA120] =	vst v1  }
0x43: {  	[tilespmem:$0xA130] =	vst v1  }
0x44: {  	[tilespmem:$0xA140] =	vst v1  }
0x45: {  	[tilespmem:$0xA150] =	vst v1  }
0x46: {  	[tilespmem:$0xA160] =	vst v1  }
0x47: {  	[tilespmem:$0xA170] =	vst v1  }
0x48: {  	[tilespmem:$0xA180] =	vst v1  }
0x49: {  	[tilespmem:$0xA190] =	vst v1  }
0x4a: {  	[tilespmem:$0xA1A0] =	vst v1  }
0x4b: {  	[tilespmem:$0xA1B0] =	vst v1  }
0x4c: {  	[tilespmem:$0xA1C0] =	vst v1  }
0x4d: {  	[tilespmem:$0xA1D0] =	vst v1  }
0x4e: {  	[tilespmem:$0xA1E0] =	vst v1  }
0x4f: {  	[tilespmem:$0xA1F0] =	vst v1  }
0x50: {  	[tilespmem:$0xA200] =	vst v1  }
0x51: {  	[tilespmem:$0xA210] =	vst v1  }
0x52: {  	[tilespmem:$0xA220] =	vst v1  }
0x53: {  	[tilespmem:$0xA230] =	vst v1  }
0x54: {  	[tilespmem:$0xA240] =	vst v1  }
0x55: {  	[tilespmem:$0xA250] =	vst v1  }
0x56: {  	[tilespmem:$0xA260] =	vst v1  }
0x57: {  	[tilespmem:$0xA270] =	vst v1  }
0x58: {  	[tilespmem:$0xA280] =	vst v1  }
0x59: {  	[tilespmem:$0xA290] =	vst v1  }
0x5a: {  	[tilespmem:$0xA2A0] =	vst v1  }
0x5b: {  	[tilespmem:$0xA2B0] =	vst v1  }
0x5c: {  	[tilespmem:$0xA2C0] =	vst v1  }
0x5d: {  	[tilespmem:$0xA2D0] =	vst v1  }
0x5e: {  	[tilespmem:$0xA2E0] =	vst v1  }
0x5f: {  	s18 =	sadd.s32 $0x0, s6;
	[tilespmem:$0xA2F0] =	vst v1  }
0x60: {  	[spmem:s18] =	stream.linear.scatter [tilespmem:s11], [sflag:$0x5], $0x400, $0x38;
	[tilespmem:$0x1E300] =	vst v63  }
0x61: {  	s12 =	simm.s32 $0x1000;
	_ =	swait.ge [sflag:s10], $0x400  }
.LBB2_4:
0x62: {  	s16 =	sshra.s32 s12, $0x2;
	[sflag:s10] =	ssyncset.done $0x0;
	p0 =	sne.s32 s12, $0x4F000  }
.Ltmp1:
0x63: {  	s16 =	sadd.s32 s16, s6;
	[sflag:s10] =	ssyncadd.s32 $0xFFFFFC00;
	(pc) =	sbr.rel @p0 .LBB2_4-.Ltmp1, $3  }
0x64: {  	[spmem:s16] =	stream.linear.scatter [tilespmem:s11], [sflag:$0x5], $0x400, $0x38;
	[tilespmem:$0x1E300] =	vst v63  }
0x65: {  	s12 =	sadd.s32 $0x1000, s12;
	_ =	sdelay $0x1  }
0x66: {  	_ =	swait.ge [sflag:s10], $0x400  }
0x67: {  	[sflag:s10] =	ssyncset.done $0x0  }
0x68: {  	s12 =	simm.s32 $0x0;
	s16 =	simm.s32 $0x2780;
	[sflag:s10] =	ssyncadd.s32 $0xFFFFFC00  }
0x69: {  	[tilespmem:s16], [sflag:$0x5] =	stream.linear.gather [hbm4b:s7+s12], $0x2710, $0x38;
	[tilespmem:$0x1E300] =	vst v63  }
0x6a: {  	_ =	swait.ge [sflag:s10], $0x2710  }
0x6b: {  	[sflag:s10] =	ssyncset.done $0x0  }
0x6c: {  	[sflag:s10] =	ssyncadd.s32 $0xFFFFD8F0  }
0x6d: {  	[bflag:$0x0] =	sbarrier.arrive $0xFFFF  }
0x6e: {  	[tilespmem:s14], [sflag:$0x1] =	stream.indirect.gather [hbm4b:s2+s13], $0x80, s12, s13, $0xb8;
	[tilespmem:$0x1E300] =	vst v63  }
0x6f: {  	_ = 	snop  }
0x70: {  	[tilespmem:s15], [sflag:$0x2] =	stream.indirect.gather [hbm4b:s2+s13], $0x80, s13, s13, $0xb8;
	[tilespmem:$0x1E300] =	vst v63  }
0x71: {  	s18 =	simm.s32 $0x50  }
0x72: {  	[tilespmem:s17], [sflag:$0x3] =	stream.indirect.gather [hbm4b:s2+s13], $0x80, s18, s13, $0xb8;
	[tilespmem:$0x1E300] =	vst v63  }
0x73: {  	s16 =	simm.s32 $0x78  }
0x74: {  	[tilespmem:s19], [sflag:$0x4] =	stream.indirect.gather [hbm4b:s2+s13], $0x80, s16, s13, $0xb8;
	[tilespmem:$0x1E300] =	vst v63  }
0x75: {  	_ =	swait.ge [sflag:s20], $0x1400  }
0x76: {  	[sflag:s20] =	ssyncset.done $0x0  }
0x77: {  	s18 =	simm.s32 $0x2780;
	[sflag:s20] =	ssyncadd.s32 $0xFFFFEC00  }
0x78: {  	[spmem:s3] =	stream.indirect.scatter.add.f32 [tilespmem:s14], [sflag:$0x1], $0x80, s18, s13, $0xb8;
	[tilespmem:$0x1E300] =	vst v63  }
0x79: {  	_ =	swait.ge [sflag:s21], $0x1400  }
0x7a: {  	[sflag:s21] =	ssyncset.done $0x0  }
0x7b: {  	s16 =	simm.s32 $0x27A8;
	[sflag:s21] =	ssyncadd.s32 $0xFFFFEC00  }
0x7c: {  	[spmem:s3] =	stream.indirect.scatter.add.f32 [tilespmem:s15], [sflag:$0x2], $0x80, s16, s13, $0xb8;
	[tilespmem:$0x1E300] =	vst v63  }
0x7d: {  	_ =	swait.ge [sflag:s22], $0x1400  }
0x7e: {  	[sflag:s22] =	ssyncset.done $0x0  }
0x7f: {  	s18 =	simm.s32 $0x27D0;
	[sflag:s22] =	ssyncadd.s32 $0xFFFFEC00  }
0x80: {  	[spmem:s3] =	stream.indirect.scatter.add.f32 [tilespmem:s17], [sflag:$0x3], $0x80, s18, s13, $0xb8;
	[tilespmem:$0x1E300] =	vst v63  }
0x81: {  	_ =	swait.ge [sflag:s23], $0x1400  }
0x82: {  	[sflag:s23] =	ssyncset.done $0x0  }
0x83: {  	s16 =	simm.s32 $0x27F8;
	[sflag:s23] =	ssyncadd.s32 $0xFFFFEC00  }
0x84: {  	[spmem:s3] =	stream.indirect.scatter.add.f32 [tilespmem:s19], [sflag:$0x4], $0x80, s16, s13, $0xb8;
	[tilespmem:$0x1E300] =	vst v63  }
0x85: {  	_ =	swait.ge [sflag:s20], $0x1400  }
0x86: {  	[sflag:s20] =	ssyncset.done $0x0  }
0x87: {  	s18 =	simm.s32 $0xA0;
	[sflag:s20] =	ssyncadd.s32 $0xFFFFEC00  }
0x88: {  	[tilespmem:s14], [sflag:$0x1] =	stream.indirect.gather [hbm4b:s2+s13], $0x80, s18, s13, $0xb8;
	[tilespmem:$0x1E300] =	vst v63  }
0x89: {  	_ =	swait.ge [sflag:s21], $0x1400  }
0x8a: {  	[sflag:s21] =	ssyncset.done $0x0  }
0x8b: {  	s16 =	simm.s32 $0xC8;
	[sflag:s21] =	ssyncadd.s32 $0xFFFFEC00  }
0x8c: {  	[tilespmem:s15], [sflag:$0x2] =	stream.indirect.gather [hbm4b:s2+s13], $0x80, s16, s13, $0xb8;
	[tilespmem:$0x1E300] =	vst v63  }
0x8d: {  	_ =	swait.ge [sflag:s22], $0x1400  }
0x8e: {  	[sflag:s22] =	ssyncset.done $0x0  }
0x8f: {  	s18 =	simm.s32 $0xF0;
	[sflag:s22] =	ssyncadd.s32 $0xFFFFEC00  }
0x90: {  	[tilespmem:s17], [sflag:$0x3] =	stream.indirect.gather [hbm4b:s2+s13], $0x80, s18, s13, $0xb8;
	[tilespmem:$0x1E300] =	vst v63  }
0x91: {  	_ =	swait.ge [sflag:s23], $0x1400  }
0x92: {  	[sflag:s23] =	ssyncset.done $0x0  }
0x93: {  	s12 =	simm.s32 $0x280;
	s16 =	simm.s32 $0x118;
	[sflag:s23] =	ssyncadd.s32 $0xFFFFEC00  }
.LBB2_6:
0x94: {  	[tilespmem:s19], [sflag:$0x4] =	stream.indirect.gather [hbm4b:s2+s13], $0x80, s16, s13, $0xb8;
	[tilespmem:$0x1E300] =	vst v63  }
0x95: {  	s16 =	smov.u32 s12  }
0x96: {  	p0 =	sne.s32 s12, $0x9600;
	s12 =	sadd.s32 $0x280, s12;
	_ =	swait.ge [sflag:s20], $0x1400  }
0x97: {  	s16 =	sshra.s32 s16, $0x2;
	[sflag:s20] =	ssyncset.done $0x0  }
0x98: {  	s18 =	sadd.s32 $0x2780, s16;
	[sflag:s20] =	ssyncadd.s32 $0xFFFFEC00  }
0x99: {  	[spmem:s3] =	stream.indirect.scatter.add.f32 [tilespmem:s14], [sflag:$0x1], $0x80, s18, s13, $0xb8;
	[tilespmem:$0x1E300] =	vst v63  }
0x9a: {  	_ =	swait.ge [sflag:s21], $0x1400  }
0x9b: {  	[sflag:s21] =	ssyncset.done $0x0  }
0x9c: {  	s18 =	sadd.s32 $0x27A8, s16;
	[sflag:s21] =	ssyncadd.s32 $0xFFFFEC00  }
0x9d: {  	[spmem:s3] =	stream.indirect.scatter.add.f32 [tilespmem:s15], [sflag:$0x2], $0x80, s18, s13, $0xb8;
	[tilespmem:$0x1E300] =	vst v63  }
0x9e: {  	_ =	swait.ge [sflag:s22], $0x1400  }
0x9f: {  	[sflag:s22] =	ssyncset.done $0x0  }
0xa0: {  	s18 =	sadd.s32 $0x27D0, s16;
	[sflag:s22] =	ssyncadd.s32 $0xFFFFEC00  }
0xa1: {  	[spmem:s3] =	stream.indirect.scatter.add.f32 [tilespmem:s17], [sflag:$0x3], $0x80, s18, s13, $0xb8;
	[tilespmem:$0x1E300] =	vst v63  }
0xa2: {  	_ =	swait.ge [sflag:s23], $0x1400  }
0xa3: {  	[sflag:s23] =	ssyncset.done $0x0  }
0xa4: {  	s18 =	sadd.s32 $0x27F8, s16;
	[sflag:s23] =	ssyncadd.s32 $0xFFFFEC00  }
0xa5: {  	[spmem:s3] =	stream.indirect.scatter.add.f32 [tilespmem:s19], [sflag:$0x4], $0x80, s18, s13, $0xb8;
	[tilespmem:$0x1E300] =	vst v63  }
0xa6: {  	_ =	swait.ge [sflag:s20], $0x1400  }
0xa7: {  	[sflag:s20] =	ssyncset.done $0x0  }
0xa8: {  	s18 =	sadd.s32 $0xA0, s16;
	[sflag:s20] =	ssyncadd.s32 $0xFFFFEC00  }
0xa9: {  	[tilespmem:s14], [sflag:$0x1] =	stream.indirect.gather [hbm4b:s2+s13], $0x80, s18, s13, $0xb8;
	[tilespmem:$0x1E300] =	vst v63  }
0xaa: {  	_ =	swait.ge [sflag:s21], $0x1400  }
0xab: {  	[sflag:s21] =	ssyncset.done $0x0  }
0xac: {  	s18 =	sadd.s32 $0xC8, s16;
	[sflag:s21] =	ssyncadd.s32 $0xFFFFEC00  }
0xad: {  	[tilespmem:s15], [sflag:$0x2] =	stream.indirect.gather [hbm4b:s2+s13], $0x80, s18, s13, $0xb8;
	[tilespmem:$0x1E300] =	vst v63  }
0xae: {  	_ =	swait.ge [sflag:s22], $0x1400  }
0xaf: {  	[sflag:s22] =	ssyncset.done $0x0  }
.Ltmp2:
0xb0: {  	s18 =	sadd.s32 $0xF0, s16;
	[sflag:s22] =	ssyncadd.s32 $0xFFFFEC00;
	(pc) =	sbr.rel @p0 .LBB2_6-.Ltmp2, $4  }
0xb1: {  	[tilespmem:s17], [sflag:$0x3] =	stream.indirect.gather [hbm4b:s2+s13], $0x80, s18, s13, $0xb8;
	[tilespmem:$0x1E300] =	vst v63  }
0xb2: {  	_ =	swait.ge [sflag:s23], $0x1400  }
0xb3: {  	[sflag:s23] =	ssyncset.done $0x0  }
0xb4: {  	s16 =	sadd.s32 $0x118, s16;
	[sflag:s23] =	ssyncadd.s32 $0xFFFFEC00  }
0xb5: {  	[tilespmem:s19], [sflag:$0x4] =	stream.indirect.gather [hbm4b:s2+s13], $0x80, s16, s13, $0xb8;
	[tilespmem:$0x1E300] =	vst v63  }
0xb6: {  	_ =	swait.ge [sflag:s20], $0x1400  }
0xb7: {  	[sflag:s20] =	ssyncset.done $0x0  }
0xb8: {  	[sflag:s20] =	ssyncadd.s32 $0xFFFFEC00  }
0xb9: {  	[spmem:s3] =	stream.indirect.scatter.add.f32 [tilespmem:s14], [sflag:$0x1], $0x80, s24, s13, $0xb8;
	[tilespmem:$0x1E300] =	vst v63  }
0xba: {  	_ =	swait.ge [sflag:s21], $0x1400  }
0xbb: {  	[sflag:s21] =	ssyncset.done $0x0  }
0xbc: {  	[sflag:s21] =	ssyncadd.s32 $0xFFFFEC00  }
0xbd: {  	[spmem:s3] =	stream.indirect.scatter.add.f32 [tilespmem:s15], [sflag:$0x2], $0x80, s25, s13, $0xb8;
	[tilespmem:$0x1E300] =	vst v63  }
0xbe: {  	_ =	swait.ge [sflag:s22], $0x1400  }
0xbf: {  	[sflag:s22] =	ssyncset.done $0x0  }
0xc0: {  	[sflag:s22] =	ssyncadd.s32 $0xFFFFEC00  }
0xc1: {  	[spmem:s3] =	stream.indirect.scatter.add.f32 [tilespmem:s17], [sflag:$0x3], $0x80, s26, s13, $0xb8;
	[tilespmem:$0x1E300] =	vst v63  }
0xc2: {  	_ =	swait.ge [sflag:s23], $0x1400  }
0xc3: {  	[sflag:s23] =	ssyncset.done $0x0  }
0xc4: {  	[sflag:s23] =	ssyncadd.s32 $0xFFFFEC00  }
0xc5: {  	[spmem:s3] =	stream.indirect.scatter.add.f32 [tilespmem:s19], [sflag:$0x4], $0x80, s28, s13, $0xb8;
	[tilespmem:$0x1E300] =	vst v63  }
0xc6: {  	_ =	swait.ge [sflag:s20], $0x1400  }
0xc7: {  	[sflag:s20] =	ssyncset.done $0x0  }
0xc8: {  	[sflag:s20] =	ssyncadd.s32 $0xFFFFEC00  }
0xc9: {  	[tilespmem:s14], [sflag:$0x1] =	stream.indirect.gather [hbm4b:s2+s13], $0x80, s29, s13, $0xb8;
	[tilespmem:$0x1E300] =	vst v63  }
0xca: {  	_ =	swait.ge [sflag:s21], $0x1400  }
0xcb: {  	[sflag:s21] =	ssyncset.done $0x0  }
0xcc: {  	[sflag:s21] =	ssyncadd.s32 $0xFFFFEC00  }
0xcd: {  	[tilespmem:s15], [sflag:$0x2] =	stream.indirect.gather [hbm4b:s2+s13], $0x80, s30, s13, $0xb8;
	[tilespmem:$0x1E300] =	vst v63  }
0xce: {  	_ =	swait.ge [sflag:s22], $0x1400  }
0xcf: {  	[sflag:s22] =	ssyncset.done $0x0  }
0xd0: {  	[sflag:s22] =	ssyncadd.s32 $0xFFFFEC00  }
0xd1: {  	_ =	swait.ge [sflag:s23], $0x1400  }
0xd2: {  	[sflag:s23] =	ssyncset.done $0x0  }
0xd3: {  	[sflag:s23] =	ssyncadd.s32 $0xFFFFEC00  }
0xd4: {  	_ =	swait.ge [sflag:s20], $0x1400  }
0xd5: {  	[sflag:s20] =	ssyncset.done $0x0  }
0xd6: {  	[sflag:s20] =	ssyncadd.s32 $0xFFFFEC00  }
0xd7: {  	[spmem:s3] =	stream.indirect.scatter.add.f32 [tilespmem:s14], [sflag:$0x1], $0x80, s31, s13, $0xb8;
	[tilespmem:$0x1E300] =	vst v63  }
0xd8: {  	_ =	swait.ge [sflag:s21], $0x1400  }
0xd9: {  	[sflag:s21] =	ssyncset.done $0x0  }
0xda: {  	[sflag:s21] =	ssyncadd.s32 $0xFFFFEC00  }
0xdb: {  	[spmem:s3] =	stream.indirect.scatter.add.f32 [tilespmem:s15], [sflag:$0x2], $0x80, s1, s13, $0xb8;
	[tilespmem:$0x1E300] =	vst v63  }
0xdc: {  	_ =	swait.ge [sflag:s20], $0x1400  }
0xdd: {  	[sflag:s20] =	ssyncset.done $0x0  }
0xde: {  	[sflag:s20] =	ssyncadd.s32 $0xFFFFEC00  }
0xdf: {  	_ =	swait.ge [sflag:s21], $0x1400  }
0xe0: {  	s12 =	sshll.u32 s0, $0x6;
	s4 =	sadd.s32 $0x1, s4;
	[sflag:s21] =	ssyncset.done $0x0  }
0xe1: {  	s18 =	sshrl.u32 s6, $0x3;
	p0 =	sne.s32 s4, s9;
	[sflag:s21] =	ssyncadd.s32 $0xFFFFEC00  }
.Ltmp3:
0xe2: {  	s12 =	sor.u32 $0x1C05, s12;
	[bflag:$0x0] =	sbarrier.arrive $0xFFFF;
	(pc) =	sbr.rel @p0 .LBB2_1-.Ltmp3, $4  }
0xe3: {  	[hbm:s8], [sflag:s12] =	dma.local [spmem:s18], $0x2800  }
0xe4: {  	_ =	swait.ge [sflag:s10], $0x2800  }
0xe5: {  	[sflag:s10] =	ssyncset.done $0x0  }
0xe6: {  	[sflag:s10] =	ssyncadd.s32 $0xFFFFD800  }
0xe7: {  	_ =	sfence.sel $0x180000  }
0xe8: {  	[bflag:$0x0] =	sbarrier.arrive $0xFFFF  }
0xe9: {  	_ =	strace $0x9000004D  }
0xea: {  	[bflag:$0x2] =	sbarrier.arrive $0xFFFF  }
0xeb: {  	p0 =	sne.s32 s0, $0x0;
	s0 =	rddreg [dreg:$0x3]  }
0xec: {  	s0 =	sadd.s32 @!p0 $0x100000, s0  }
0xed: {  	[sflag:s0] =	ssyncadd.tile.s32 @!p0 $0x1;
	_ =	shalt  }
.Lfunc_end2:
_tile_overlayer_lowered:
.L_overlay_start_2:
0xee: {  	(tag) =	ssettag $0x2  }
0xef: {  	s0 =	rddreg [dreg:$0x0];
	s2 =	stileid.u32  }
0xf0: {  	s1 =	rddreg [dreg:$0x1];
	p0 =	sne.s32 s2, $0x0  }
0xf1: {  	s3 =	rddreg [dreg:$0x2];
	[bflag:$0x3] =	sbarrier.arrive $0xFFFF;
	s2 =	simm.s32 @!p0 $0x1C05  }
0xf2: {  	[timem:s3], [sflag:s2] =	dma.local @!p0 [hbm:s0], s1  }
0xf3: {  	s0 =	simm.s32 @!p0 $0x5  }
0xf4: {  	_ =	swait.ge @!p0 [sflag:s0], s1  }
0xf5: {  	s1 =	ssub.s32 @!p0 $0x0, s1;
	[sflag:s0] =	ssyncset.done @!p0 $0x0  }
0xf6: {  	[sflag:s0] =	ssyncadd.s32 @!p0 s1  }
0xf7: {  	[bflag:$0x3] =	sbarrier.arrive $0xFFFF  }
0xf8: {  	_ =	shalt  }

// kernel: kernel.9.cloned.1.call-start
scs
__scs_entry_jumppad:
0x0: {  	(pc) =	sbr.rel $0x88, $3  }
0x1: {  	(tag) =	ssettag $0x0;
	lr =	simm.s32 $0x1  }
0x2: {  	[smem:$0x3F9B] =	sst lr;
	_ =	strace $0xD0000000  }
0x3: {  	_ = 	snop  }
0x4: {  	_ = 	snop  }
0x5: {  	_ = 	snop  }
0x6: {  	_ = 	snop  }
0x7: {  	_ = 	snop  }
__scs_overlays_trampoline_lowered:
0x8: {  	[smem:$0x3FAA] =	sst s0  }
0x9: {  	[smem:$0x3FAB] =	sst s1  }
0xa: {  	[smem:$0x3FAC] =	sst s2  }
0xb: {  	[smem:$0x3FAD] =	sst s3  }
0xc: {  	[smem:$0x3FAE] =	sst s4  }
0xd: {  	[smem:$0x3FAF] =	sst s5  }
0xe: {  	[smem:$0x3FB0] =	sst s6  }
0xf: {  	[smem:$0x3FB1] =	sst s7  }
0x10: {  	[smem:$0x3FB2] =	sst s8  }
0x11: {  	[smem:$0x3FB3] =	sst s9;
	s0 =	simm.s32 @!p0 $0x0  }
0x12: {  	s1 =	sld [smem:$0x3F99];
	s0 =	simm.s32 @p0 $0x1  }
0x13: {  	[smem:$0x3FB4] =	sst s0;
	s0 =	simm.s32 @!p1 $0x0  }
0x14: {  	s2 =	sld [smem:$0x3F98];
	s0 =	simm.s32 @p1 $0x1  }
0x15: {  	[smem:$0x3FB5] =	sst s0;
	s0 =	simm.s32 @!p2 $0x0  }
0x16: {  	s3 =	sld [smem:$0x3FDB];
	s0 =	simm.s32 @p2 $0x1  }
0x17: {  	s4 =	simm.s32 $0x1BF5;
	[smem:$0x3FB7] =	sst s0  }
0x18: {  	s0 =	sld [smem:$0x3F9A];
	_ =	swait.ge [sflag:s4], $0x0  }
0x19: {  	s7 =	sld [smem:$0x3F9B]  }
0x1a: {  	s8 =	sadd.s32 $0xFFFFE003, lr  }
0x1b: {  	s9 =	sadd.s32 $0xFFFFFEF7, lr;
	s5 =	simm.s32 $0xFFFFFFFF;
	p2 =	slt.u32 s8, $0xFFFFF086  }
0x1c: {  	p1 =	slt.u32 s9, $0xF7A;
	s5 =	simm.s32 @!p2 $0x0  }
0x1d: {  	s5 =	simm.s32 @p1 $0x1;
	p0 =	seq.s32 s7, s2  }
0x1e: {  	s7 =	smul.u32 @!p0 $0xF7A, s2;
	p2 =	seq.s32 @!p0 s5, $0x0  }
0x1f: {  	s9 =	smul.u32 $0xF7A, s1;
	s8 =	simm.s32 @!p0 $0x1BF5;
	p2 =	por !p2, p0  }
0x20: {  	[sflag:s8] =	ssyncset.s32 @!p0 $0xFFFFF086;
	s6 =	sadd.s32 @!p0 s3, s7;
	s7 =	simm.s32 @!p0 $0x108  }
0x21: {  	s3 =	sadd.s32 s3, s9;
	s6 =	sadd.s32 @!p0 $0x88, s6;
	s7 =	simm.s32 @p2 $0x1082  }
0x22: {  	[simem:s7], [sflag:s8] =	dma.local @!p0 [hbm:s6], $0xF7A  }
0x23: {  	s9 =	sor.u32 $0xD0000000, s2;
	s6 =	simm.s32 $0x108;
	_ =	swait.ge @!p0 [sflag:s8], $0x0  }
0x24: {  	s3 =	sadd.s32 $0x88, s3;
	s6 =	simm.s32 @!p1 $0x1082;
	[sflag:s4] =	ssyncset.s32 $0xFFFFF086  }
0x25: {  	[simem:s6], [sflag:s4] =	dma.local [hbm:s3], $0xF7A  }
0x26: {  	[smem:$0x3F9B] =	sst s1;
	(tag) =	ssettag s2;
	_ =	strace s9  }
0x27: {  	s1 =	sld [smem:$0x3FAB]  }
0x28: {  	s2 =	sld [smem:$0x3FAC]  }
0x29: {  	s4 =	sld [smem:$0x3FAE]  }
0x2a: {  	p0 =	seq.s32 s5, $0x0;
	s5 =	sld [smem:$0x3FAF]  }
0x2b: {  	s6 =	sld [smem:$0x3FB0]  }
0x2c: {  	s7 =	sld [smem:$0x3FB1]  }
0x2d: {  	s3 =	simm.s32 $0x108;
	s8 =	sld [smem:$0x3FB2]  }
0x2e: {  	s3 =	simm.s32 @!p0 $0x1082;
	s9 =	sld [smem:$0x3FB3]  }
0x2f: {  	lr =	sadd.s32 s0, s3;
	s0 =	sld [smem:$0x3FAA]  }
0x30: {  	s3 =	sld [smem:$0x3FAD]  }
0x31: {  	[smem:$0x3FB6] =	sst s10  }
0x32: {  	s10 =	sld [smem:$0x3FB4];
	_ =	sdelay $0x3  }
0x33: {  	p0 =	seq.s32 s10, $0x1;
	s10 =	sld [smem:$0x3FB6];
	_ =	sdelay $0x3  }
0x34: {  	[smem:$0x3FB6] =	sst s10  }
0x35: {  	s10 =	sld [smem:$0x3FB5];
	_ =	sdelay $0x3  }
0x36: {  	p1 =	seq.s32 s10, $0x1;
	s10 =	sld [smem:$0x3FB6];
	_ =	sdelay $0x3  }
0x37: {  	[smem:$0x3FB6] =	sst s10  }
0x38: {  	s10 =	sld [smem:$0x3FB7]  }
0x39: {  	_ = 	snop;
	(pc) =	sbr.ind lr, $3  }
0x3a: {  	_ = 	snop  }
0x3b: {  	_ = 	snop  }
0x3c: {  	p2 =	seq.s32 s10, $0x1;
	s10 =	sld [smem:$0x3FB6]  }
0x3d: {  	_ =	shalt  }
0x3e: {  	_ =	shalt  }
0x3f: {  	_ =	shalt  }
0x40: {  	_ =	shalt  }
0x41: {  	_ =	shalt  }
0x42: {  	_ =	shalt  }
0x43: {  	_ =	shalt  }
0x44: {  	_ =	shalt  }
0x45: {  	_ =	shalt  }
0x46: {  	_ =	shalt  }
0x47: {  	_ =	shalt  }
0x48: {  	_ =	shalt  }
0x49: {  	_ =	shalt  }
0x4a: {  	_ =	shalt  }
0x4b: {  	_ =	shalt  }
0x4c: {  	_ =	shalt  }
0x4d: {  	_ =	shalt  }
0x4e: {  	_ =	shalt  }
0x4f: {  	_ =	shalt  }
0x50: {  	_ =	shalt  }
0x51: {  	_ =	shalt  }
0x52: {  	_ =	shalt  }
0x53: {  	_ =	shalt  }
0x54: {  	_ =	shalt  }
0x55: {  	_ =	shalt  }
0x56: {  	_ =	shalt  }
0x57: {  	_ =	shalt  }
0x58: {  	_ =	shalt  }
0x59: {  	_ =	shalt  }
0x5a: {  	_ =	shalt  }
0x5b: {  	_ =	shalt  }
0x5c: {  	_ =	shalt  }
0x5d: {  	_ =	shalt  }
0x5e: {  	_ =	shalt  }
0x5f: {  	_ =	shalt  }
0x60: {  	_ =	shalt  }
0x61: {  	_ =	shalt  }
0x62: {  	_ =	shalt  }
0x63: {  	_ =	shalt  }
0x64: {  	_ =	shalt  }
0x65: {  	_ =	shalt  }
0x66: {  	_ =	shalt  }
0x67: {  	_ =	shalt  }
0x68: {  	_ =	shalt  }
0x69: {  	_ =	shalt  }
0x6a: {  	_ =	shalt  }
0x6b: {  	_ =	shalt  }
0x6c: {  	_ =	shalt  }
0x6d: {  	_ =	shalt  }
0x6e: {  	_ =	shalt  }
0x6f: {  	_ =	shalt  }
0x70: {  	_ =	shalt  }
0x71: {  	_ =	shalt  }
0x72: {  	_ =	shalt  }
0x73: {  	_ =	shalt  }
0x74: {  	_ =	shalt  }
0x75: {  	_ =	shalt  }
0x76: {  	_ =	shalt  }
0x77: {  	_ =	shalt  }
0x78: {  	_ =	shalt  }
0x79: {  	_ =	shalt  }
0x7a: {  	_ =	shalt  }
0x7b: {  	_ =	shalt  }
0x7c: {  	_ =	shalt  }
0x7d: {  	_ =	shalt  }
0x7e: {  	_ =	shalt  }
0x7f: {  	_ =	shalt  }
0x80: {  	_ =	shalt  }
0x81: {  	_ =	shalt  }
0x82: {  	_ =	shalt  }
0x83: {  	_ =	shalt  }
0x84: {  	_ =	shalt  }
0x85: {  	_ =	shalt  }
0x86: {  	_ =	shalt  }
0x87: {  	_ =	shalt  }
.Lfunc_end0:
.L_simem_size_0:
called_computation_lowered:
.L_overlay_start_0:
0x88: {  	s2 =	sld [smem:$0x3FD9]  }
0x89: {  	s3 =	sld [smem:$0x3FFE];
	_ =	sdelay $0x1  }
0x8a: {  	s1 =	srdreg.scid  }
0x8b: {  	s0 =	sand.u32 $0x1, s1  }
0x8c: {  	s16 =	sshll.u32 s0, $0xA;
	s2 =	sadd.s32 s3, s2  }
0x8d: {  	s2 =	sadd.s32 s2, s16  }
0x8e: {  	[smem:$0x3FC2] =	sst s2  }
0x8f: {  	_ = 	snop  }
0x90: {  	(tm) =	ssettm $0x1  }
0x91: {  	s17 =	sld [smem:$0x3FFB];
	_ =	sdelay $0x3  }
0x92: {  	_ =	strace s17  }
0x93: {  	s2 =	sld [smem:$0x3FFC];
	_ =	sdelay $0x3  }
0x94: {  	_ =	strace s2  }
0x95: {  	s2 =	sld [smem:$0x3FFD];
	_ =	sdelay $0x3  }
0x96: {  	_ =	strace s2  }
0x97: {  	_ =	strace $0x8FFFFFFF  }
0x98: {  	s18 =	sld [smem:$0x3FDB];
	_ =	sdelay $0x1  }
0x99: {  	s19 =	simm.s32 $_scs_section_size  }
0x9a: {  	s4 =	simm.s32 $_size__tile_overlayer_lowered;
	s5 =	simm.s32 $_tile_overlayer_lowered  }
0x9b: {  	s22 =	simm.s32 $0x1BFF;
	s21 =	sshll.u32 s5, $0x1;
	s2 =	sadd.s32 s19, s18  }
0x9c: {  	s6 =	simm.s32 $0x0;
	s20 =	sshll.u32 s4, $0x1;
	s4 =	sadd.s32 s21, s2  }
0x9d: {  	[timem:s6], [sflag:s22] =	dma.local [hbm:s4], s20  }
0x9e: {  	_ =	swait.ge [sflag:s22], s20  }
0x9f: {  	s3 =	ssub.s32 $0x0, s20;
	[sflag:s22] =	ssyncset.done $0x0  }
0xa0: {  	[sflag:s22] =	ssyncadd.s32 s3;
	_ =	sdelay $0x1  }
0xa1: {  	s23 =	simm.s32 $0x1B8B  }
0xa2: {  	_ =	swait.ge [sflag:s23], $0x1  }
0xa3: {  	[sflag:s23] =	ssyncset.done $0x0  }
0xa4: {  	s25 =	simm.s32 $0x1B8E;
	s24 =	sld [smem:$0x3FFE];
	[sflag:s23] =	ssyncadd.s32 $0xFFFFFFFF  }
0xa5: {  	s26 =	simm.s32 $execute0_lowered;
	[smem:$0x3FD2] =	sst s25  }
0xa6: {  	s4 =	sshll.u32 s26, $0x1;
	_ =	strace $0x80000046;
	[dreg:$0x1] =	wrdreg $0xFFFFFFFF  }
0xa7: {  	s28 =	simm.s32 $_size_execute0_lowered;
	s2 =	sadd.s32 s2, s4;
	[dreg:$0x0] =	wrdreg $0x0  }
0xa8: {  	s4 =	sshll.u32 s28, $0x1;
	[dreg:$0x2] =	wrdreg s2  }
0xa9: {  	[dreg:$0x3] =	wrdreg s4  }
0xaa: {  	[dreg:$0x4] =	wrdreg $0xC0  }
0xab: {  	_ =	task [dreg:s6], $0x5FFFF  }
0xac: {  	[dreg:$0x1] =	wrdreg $0xFFFFFFFF  }
0xad: {  	[dreg:$0x0] =	wrdreg $0x60  }
0xae: {  	[dreg:$0x2] =	wrdreg s24  }
0xaf: {  	[dreg:$0x3] =	wrdreg $0x50000  }
0xb0: {  	[dreg:$0x4] =	wrdreg $0x9  }
0xb1: {  	_ =	task.clear_ibuf [dreg:s6], $0x5FFFF;
	_ =	strace $0x90000046  }
0xb2: {  	s29 =	simm.s32 $0x9;
	_ =	strace $0x80000048  }
0xb3: {  	_ =	swait.ge [sflag:s29], $0x1  }
0xb4: {  	[sflag:s29] =	ssyncadd.s32 $0xFFFFFFFF  }
0xb5: {  	_ =	strace $0x90000048  }
0xb6: {  	_ =	sfence  }
0xb7: {  	s30 =	sld [smem:$0x0];
	_ =	sdelay $0x2  }
0xb8: {  	s31 =	sshll.u32 s1, $0xD;
	s1 =	sshrl.u32 s1, $0x2  }
0xb9: {  	s3 =	sand.u32 $0x4000, s31;
	s1 =	sadd.s32 s1, s30  }
0xba: {  	s0 =	sor.u32 s3, s0;
	s1 =	sshll.u32 s1, $0x11  }
0xbb: {  	s0 =	sor.u32 s1, s0  }
0xbc: {  	s0 =	sadd.s32 $0x8F2B, s0  }
0xbd: {  	[sflag:s0] =	ssyncadd.remote.s32 $0x1  }
0xbe: {  	_ =	sfence.sel $0xFFFF  }
0xbf: {  	[dreg:$0x0] =	wrdreg $0xFFFFFFFF;
	(pc) =	sbr.abs _section_cstart, $3  }
0xc0: {  	[dreg:$0x1] =	wrdreg $0xFFFFFFFF  }
0xc1: {  	_ =	task.clear_ibuf [dreg:s6], $0x2FFFF;
	_ =	strace $0x9FFFFFFF  }
0xc2: {  	(tm) =	ssettm $0x7FFFFFFF  }
0xc3: {  	_ =	shalt  }
tec
execute0_lowered:
.L_overlay_start_1:
0x0: {  	(tag) =	ssettag $0x1  }
0x1: {  	s6 =	rddreg [dreg:$0x0]  }
0x2: {  	s1 =	rddreg [dreg:$0x1]  }
0x3: {  	s0 =	rddreg [dreg:$0x2];
	s2 =	simm.s32 $0x0;
	s3 =	srdreg.scid  }
0x4: {  	s11 =	simm.s32 $0x2780;
	s12 =	simm.s32 $0x50;
	[smem:$0x7FF] =	sst s2  }
0x5: {  	s5 =	sand.u32 $0x1, s3;
	s4 =	sadd.s32 $0xBE00, s6;
	s3 =	stileid.u32  }
0x6: {  	_ =	strace $0x80000047;
	s7 =	ssub.s32 $0x2, s5;
	s8 =	sshll.u32 s3, $0x7  }
0x7: {  	s10 =	smul.u32 $0x2710, s3;
	p0 =	slt.u32 s3, $0xA;
	s31 =	sshll.u32 s3, $0xA  }
0x8: {  	p1 =	seq.s32 s5, $0x0;
	s9 =	sshrl.u32 s7, $0x1;
	s8 =	sadd.s32 s8, s6  }
0x9: {  	s5 =	sadd.s32 s31, s1;
	p0 =	por !p1, !p0;
	p1 =	sgt.u32 s3, $0x9  }
0xa: {  	s9 =	ssub.s32 s7, s9;
	s10 =	sshrl.u32 s10, $0x3;
	p0 =	por !p0, !p0  }
0xb: {  	s7 =	sadd.s32 $0xC000, s8;
	s6 =	sadd.s32 s6, s10;
	s8 =	smax.u32 s9, $0x1  }
0xc: {  	s9 =	simm.s32 $0x4F80;
	s10 =	simm.s32 $0x1;
	s13 =	sshll.u32 @p0 s3, $0x6  }
0xd: {  	v0 =	vimm.f32 $0.0e+00;
	v1 =	vimm.f32 $1.000000000e+00;
	s14 =	sshrl.u32 @p0 s5, $0x3;
	s6 =	sadd.s32 $0x6E20, s6;
	s13 =	sor.u32 @p0 $0x1C01, s13  }
.LBB2_1:
0xe: {  	s15 =	simm.s32 $0x0;
	s16 =	simm.s32 $0x200  }
.LBB2_2:
0xf: {  	p2 =	sne.s32 s16, $0x9E00;
	[tilespmem:s15+$0x27F0] =	vst v0  }
0x10: {  	[tilespmem:s15+$0x2780] =	vst v0  }
0x11: {  	[tilespmem:s15+$0x2790] =	vst v0  }
.Ltmp0:
0x12: {  	[tilespmem:s15+$0x27A0] =	vst v0;
	(pc) =	sbr.rel @p2 .LBB2_2-.Ltmp0, $4  }
0x13: {  	[tilespmem:s15+$0x27B0] =	vst v0  }
0x14: {  	[tilespmem:s15+$0x27C0] =	vst v0  }
0x15: {  	[tilespmem:s15+$0x27D0] =	vst v0  }
0x16: {  	[tilespmem:s15+$0x27E0] =	vst v0;
	s15 =	sshra.s32 s16, $0x2;
	s16 =	sadd.s32 $0x200, s16  }
0x17: {  	[tilespmem:s15+$0x27F0] =	vst v0  }
0x18: {  	[tilespmem:s15+$0x2780] =	vst v0  }
0x19: {  	[tilespmem:s15+$0x2790] =	vst v0  }
0x1a: {  	[tilespmem:s15+$0x27A0] =	vst v0  }
0x1b: {  	[tilespmem:s15+$0x27B0] =	vst v0  }
0x1c: {  	[tilespmem:s15+$0x27C0] =	vst v0  }
0x1d: {  	[tilespmem:s15+$0x27D0] =	vst v0  }
0x1e: {  	[tilespmem:s15+$0x27E0] =	vst v0;
	s15 =	simm.s32 @!p1 $0x2780  }
0x1f: {  	[spmem:s5] =	stream.linear.scatter @!p1 [tilespmem:s15], [sflag:$0x1], $0x400, $0x38;
	[tilespmem:$0x5280] =	vst v63  }
0x20: {  	s15 =	simm.s32 @!p1 $0x1  }
0x21: {  	_ =	swait.ge @!p1 [sflag:s15], $0x400  }
0x22: {  	[sflag:s15] =	ssyncset.done @!p1 $0x0  }
0x23: {  	s31 =	simm.s32 $0x0;
	[sflag:s15] =	ssyncadd.s32 @!p1 $0xFFFFFC00  }
0x24: {  	[tilespmem:s9], [sflag:$0x1] =	stream.linear.gather [hbm4b:s4+s31], $0x80, $0x38;
	[tilespmem:$0x5280] =	vst v63  }
0x25: {  	_ =	swait.ge [sflag:s10], $0x80  }
0x26: {  	[sflag:s10] =	ssyncset.done $0x0  }
0x27: {  	[sflag:s10] =	ssyncadd.s32 $0xFFFFFF80  }
0x28: {  	[tilespmem:s31], [sflag:$0x1] =	stream.linear.gather [hbm4b:s6+s31], $0x2710, $0x38;
	[tilespmem:$0x5280] =	vst v63  }
0x29: {  	_ =	swait.ge [sflag:s10], $0x2710  }
0x2a: {  	[sflag:s10] =	ssyncset.done $0x0  }
0x2b: {  	s16 =	simm.s32 $0x0;
	s15 =	simm.s32 $0x40;
	[sflag:s10] =	ssyncadd.s32 $0xFFFFD8F0  }
.LBB2_4:
0x2c: {  	p2 =	sne.s32 s15, $0x9C00;
	v2 =	vld [tilespmem:s16+$0x0];
	_ =	sdelay $0x3  }
.Ltmp1:
0x2d: {  	(pc) =	sbr.rel @p2 .LBB2_4-.Ltmp1, $2  }
0x2e: {  	_ =	sdelay $0x2  }
0x2f: {  	s16 =	sshra.s32 s15, $0x2;
	s15 =	sadd.s32 $0x40, s15;
	[tilespmem:v2+s11+$0x0] =	vst.idx.add.f32.msk $0xffff, v1  }
0x30: {  	v2 =	vld [tilespmem:s16+$0x0];
	_ =	sdelay $0x7  }
0x31: {  	[tilespmem:v2+s11+$0x0] =	vst.idx.add.f32.msk $0xffff, v1  }
0x32: {  	[bflag:$0x0] =	sbarrier.arrive $0xFFFF  }
0x33: {  	[spmem:s1] =	stream.indirect.scatter.add.f32 [tilespmem:s11], [sflag:$0x1], $0x80, s9, s12, $0xb8;
	[tilespmem:$0x5280] =	vst v63  }
0x34: {  	_ =	swait.ge [sflag:s10], $0x2800  }
0x35: {  	s2 =	sadd.s32 $0x1, s2;
	[sflag:s10] =	ssyncset.done $0x0  }
0x36: {  	p2 =	sne.s32 s2, s8;
	[sflag:s10] =	ssyncadd.s32 $0xFFFFD800  }
.Ltmp2:
0x37: {  	s15 =	simm.s32 @p0 $0x1;
	[bflag:$0x0] =	sbarrier.arrive $0xFFFF;
	(pc) =	sbr.rel @p2 .LBB2_1-.Ltmp2, $4  }
0x38: {  	[hbm:s7], [sflag:s13] =	dma.local @p0 [spmem:s14], $0x80  }
0x39: {  	_ =	swait.ge @p0 [sflag:s15], $0x80  }
0x3a: {  	[sflag:s15] =	ssyncset.done @p0 $0x0  }
0x3b: {  	[sflag:s15] =	ssyncadd.s32 @p0 $0xFFFFFF80  }
0x3c: {  	_ =	sfence.sel $0x180000  }
0x3d: {  	[bflag:$0x0] =	sbarrier.arrive $0xFFFF  }
0x3e: {  	p0 =	sne.s32 s3, $0x0;
	_ =	strace $0x90000047  }
0x3f: {  	s0 =	sadd.s32 @!p0 $0x100000, s0;
	[bflag:$0x2] =	sbarrier.arrive $0xFFFF  }
0x40: {  	[sflag:s0] =	ssyncadd.tile.s32 @!p0 $0x1;
	_ =	shalt  }
.Lfunc_end2:
_tile_overlayer_lowered:
.L_overlay_start_2:
0x41: {  	(tag) =	ssettag $0x2  }
0x42: {  	s0 =	rddreg [dreg:$0x0];
	s2 =	stileid.u32  }
0x43: {  	s1 =	rddreg [dreg:$0x1];
	p0 =	sne.s32 s2, $0x0  }
0x44: {  	s3 =	rddreg [dreg:$0x2];
	[bflag:$0x3] =	sbarrier.arrive $0xFFFF;
	s2 =	simm.s32 @!p0 $0x1C01  }
0x45: {  	[timem:s3], [sflag:s2] =	dma.local @!p0 [hbm:s0], s1  }
0x46: {  	s0 =	simm.s32 @!p0 $0x1  }
0x47: {  	_ =	swait.ge @!p0 [sflag:s0], s1  }
0x48: {  	s1 =	ssub.s32 @!p0 $0x0, s1;
	[sflag:s0] =	ssyncset.done @!p0 $0x0  }
0x49: {  	[sflag:s0] =	ssyncadd.s32 @!p0 s1  }
0x4a: {  	[bflag:$0x3] =	sbarrier.arrive $0xFFFF  }
0x4b: {  	_ =	shalt  }

</sc_bundles>
